<compile_context>
chip_gen: v7x
topology: tpu7x:2x2x1
jax: 0.10.2.dev20260603
libtpu: 0.0.44.dev20260713+nightly
codegen_flags: <defaults>
</compile_context>

<pallas_src>
import functools

import jax
import jax.numpy as jnp
from jax import lax
from jax.experimental import pallas as pl
from jax.experimental.pallas import tpu as pltpu
from jax.experimental.pallas import tpu_sc as plsc


_B = 256
_NW = 32


def _main_body(nb, x_ref, gram_ref, norms_ref):
    i = pl.program_id(0)
    X = x_ref[...]
    g = jax.lax.dot_general(X, X, (((0,), (0,)), ((), ())),
                            preferred_element_type=jnp.float32)
    X3 = X.reshape(nb // 128, 128, 128)
    norms_ref[...] = jnp.sqrt(jnp.sum(X3 * X3, axis=2))[None]

    @pl.when(i == 0)
    def _init():
        gram_ref[...] = g

    @pl.when(i > 0)
    def _acc():
        gram_ref[...] += g


def _sc_body(chunk, norms_hbm, ids_hbm, psum_hbm, pcnt_hbm,
             norms_v, ids_v, acc_s, acc_c, fill_v):
    wid = lax.axis_index("s") * 2 + lax.axis_index("c")
    base = wid * chunk
    pltpu.sync_copy(norms_hbm.at[pl.ds(base, chunk)], norms_v)
    pltpu.sync_copy(ids_hbm.at[pl.ds(base, chunk)], ids_v.at[pl.ds(0, chunk)])
    ids_v[pl.ds(chunk, 16)] = jnp.full((16,), -1, jnp.int32)
    zero16 = jnp.zeros((16,), jnp.float32)
    for k in range(_B // 16):
        acc_s[pl.ds(16 * k, 16)] = zero16
        acc_c[pl.ds(16 * k, 16)] = zero16
    lane = lax.iota(jnp.int32, 16)

    def _step(i, carry):
        v = norms_v[pl.ds(i * 16, 16)]
        ids = ids_v[pl.ds(i * 16, 16)]
        nxt = ids_v[pl.ds(i * 16 + 1, 16)]
        boundary = ids != nxt
        prefix = plsc.cumsum(v) + carry
        posf = (i * 16 + lane + 1).astype(jnp.float32)
        plsc.store_scatter(acc_s, [ids], prefix, mask=boundary)
        plsc.store_scatter(acc_c, [ids], posf, mask=boundary)
        return carry + jnp.sum(v)

    lax.fori_loop(0, chunk // 16, _step, jnp.float32(0.0))

    for acc in (acc_s, acc_c):
        fill_v[pl.ds(0, 16)] = zero16
        carry = jnp.float32(0.0)
        for k in range(_B // 16):
            f = jnp.maximum(plsc.cummax(acc[pl.ds(16 * k, 16)]), carry)
            fill_v[pl.ds(16 + 16 * k, 16)] = f
            carry = jnp.max(f)
        for k in range(_B // 16):
            acc[pl.ds(16 * k, 16)] = (fill_v[pl.ds(16 + 16 * k, 16)]
                                      - fill_v[pl.ds(15 + 16 * k, 16)])

    pltpu.sync_copy(acc_s, psum_hbm.at[pl.ds(wid * _B, _B)])
    pltpu.sync_copy(acc_c, pcnt_hbm.at[pl.ds(wid * _B, _B)])


def _epilogue_body(g_ref, ps_ref, pc_ref, nm_ref, sr_ref):
    G0 = g_ref[...]
    row = jax.lax.broadcasted_iota(jnp.int32, (128, 128), 0)
    col = jax.lax.broadcasted_iota(jnp.int32, (128, 128), 1)
    fro2 = jnp.sum(jnp.where(row == col, G0, 0.0))

    Gm = G0
    for _ in range(20):
        s = jnp.max(jnp.abs(Gm))
        Gn = Gm / jnp.maximum(s, 1e-30)
        Gm = jax.lax.dot_general(Gn, Gn, (((1,), (0,)), ((), ())),
                                 preferred_element_type=jnp.float32)
    coln = jnp.sum(Gm * Gm, axis=0, keepdims=True)
    lane = jax.lax.broadcasted_iota(jnp.int32, (1, 128), 1)
    j = jnp.min(jnp.where(coln == jnp.max(coln), lane, 256))
    v_col = jnp.sum(jnp.where(col == j, Gm, 0.0), axis=1, keepdims=True)
    v_row = jnp.sum(jnp.where(row == j, Gm, 0.0), axis=0, keepdims=True)
    t_col = jnp.sum(G0 * v_row, axis=1, keepdims=True)
    sigma_max_sq = jnp.sum(t_col * v_col) / jnp.sum(v_col * v_col)
    sr_ref[0, 0] = fro2 / sigma_max_sq

    seg = jnp.sum(ps_ref[...], axis=0, keepdims=True)
    cnt = jnp.sum(pc_ref[...], axis=0, keepdims=True)
    per_graph = seg / jnp.maximum(cnt, 1.0)
    bidx = jax.lax.broadcasted_iota(jnp.int32, (1, _B), 1)
    bs = jnp.max(jnp.where(cnt > 0.0, bidx, -1))
    nm = jnp.sum(jnp.where(bidx < bs, per_graph, 0.0))
    nm_ref[0, 0] = nm / (bs + 1).astype(jnp.float32)


def kernel(input, batch):
    n, d = input.shape
    assert d == 128 and n % 128 == 0 and n % (16 * _NW) == 0
    nb = 6400 if n % 6400 == 0 else n
    grid = n // nb
    chunk = n // _NW

    gram, norms2d = pl.pallas_call(
        functools.partial(_main_body, nb),
        grid=(grid,),
        in_specs=[pl.BlockSpec((nb, d), lambda i: (i, 0))],
        out_specs=[
            pl.BlockSpec((d, d), lambda i: (0, 0)),
            pl.BlockSpec((1, nb // 128, 128), lambda i: (i, 0, 0)),
        ],
        out_shape=[
            jax.ShapeDtypeStruct((d, d), jnp.float32),
            jax.ShapeDtypeStruct((grid, nb // 128, 128), jnp.float32),
        ],
    )(input)

    sc_call = pl.kernel(
        functools.partial(_sc_body, chunk),
        out_type=[
            jax.ShapeDtypeStruct((_NW * _B,), jnp.float32),
            jax.ShapeDtypeStruct((_NW * _B,), jnp.float32),
        ],
        mesh=plsc.VectorSubcoreMesh(core_axis_name="c", subcore_axis_name="s",
                                    num_cores=2, num_subcores=16),
        compiler_params=pltpu.CompilerParams(needs_layout_passes=False),
        scratch_types=[
            pltpu.VMEM((chunk,), jnp.float32),
            pltpu.VMEM((chunk + 16,), jnp.int32),
            pltpu.VMEM((_B,), jnp.float32),
            pltpu.VMEM((_B,), jnp.float32),
            pltpu.VMEM((_B + 16,), jnp.float32),
        ],
    )
    psum, pcnt = sc_call(norms2d.reshape(n), batch.astype(jnp.int32))

    nm, sr = pl.pallas_call(
        _epilogue_body,
        in_specs=[
            pl.BlockSpec((d, d), lambda: (0, 0)),
            pl.BlockSpec((_NW, _B), lambda: (0, 0)),
            pl.BlockSpec((_NW, _B), lambda: (0, 0)),
        ],
        out_specs=[
            pl.BlockSpec((1, 1), lambda: (0, 0), memory_space=pltpu.SMEM),
            pl.BlockSpec((1, 1), lambda: (0, 0), memory_space=pltpu.SMEM),
        ],
        out_shape=[
            jax.ShapeDtypeStruct((1, 1), jnp.float32),
            jax.ShapeDtypeStruct((1, 1), jnp.float32),
        ],
    )(gram, psum.reshape(_NW, _B), pcnt.reshape(_NW, _B))

    return (input, nm[0, 0], sr[0, 0])

# --- scband reference (transcript-rebuilt; emitter-appended) ---
"""Pipeline reference for scband-activation-probe-59012850647732 (READ-ONLY COPY).

The authoritative reference and input builder live on the scoring server;
editing this copy changes nothing except your own understanding.
"""

import jax, jax.numpy as jnp
import numpy as np

N = 320000
D = 128
B = 256

def setup_inputs(seed: int = 0) -> dict:
    key = jax.random.key(seed)
    k1, k2 = jax.random.split(key)
    x = jax.random.normal(k1, (N, D), dtype=jnp.float32)
    batch = jnp.sort(jax.random.randint(k2, (N,), 0, B))
    return {"input": x, "batch": batch}

def reference(input, batch):
    # Faithful translation of ActivationProbe.forward in training mode.
    # The module returns input.clone(); as side effects it computes
    # activation_norm (a segment-reduce over graph ids) and batch_stable_rank.
    # Since JAX is functional, those logged statistics are returned as extra outputs.
    M = input.astype(jnp.float32)
    # activation_norm
    all_norms = jnp.linalg.norm(M, axis=1)                      # [N]
    num_nodes = jnp.bincount(batch, length=B)                   # [B]
    batch_size = jnp.max(batch)
    seg_sum = jax.ops.segment_sum(all_norms, batch, num_segments=B)  # [B]
    per_graph = seg_sum / jnp.maximum(num_nodes, 1).astype(jnp.float32)
    # torch loop: for b in range(batch_size) -> graphs b < batch_size only
    mask = jnp.arange(B) < batch_size
    norm_mean = jnp.sum(jnp.where(mask, per_graph, 0.0)) / (batch_size + 1).astype(jnp.float32)
    # batch_stable_rank: ||M||_F^2 / sigma_max(M)^2
    fro2 = jnp.sum(M * M)
    gram = M.T @ M                                              # [D, D]
    sigma_max_sq = jnp.max(jnp.linalg.eigvalsh(gram))           # = ||M||_2^2
    stable_rank = fro2 / sigma_max_sq
    out = input  # input.clone()
    return (out, norm_mean, stable_rank)

if __name__ == "__main__":
    import jax
    _d = setup_inputs()
    print(jax.jit(kernel)(*tuple(_d.values())))

</pallas_src>

<mosaic_0001>
#map = affine_map<(d0, d1) -> (0)>
module attributes {stable_mosaic.version = 14 : i64} {
  func.func @_sc_body(%arg0: i32, %arg1: i32, %arg2: memref<320000xf32, #tpu.memory_space<hbm>>, %arg3: memref<320000xi32, #tpu.memory_space<hbm>>, %arg4: memref<8192xf32, #tpu.memory_space<hbm>>, %arg5: memref<8192xf32, #tpu.memory_space<hbm>>, %arg6: memref<10000xf32, #tpu.memory_space<vmem>>, %arg7: memref<10016xi32, #tpu.memory_space<vmem>>, %arg8: memref<256xf32, #tpu.memory_space<vmem>>, %arg9: memref<256xf32, #tpu.memory_space<vmem>>, %arg10: memref<272xf32, #tpu.memory_space<vmem>>) attributes {dimension_semantics = [#tpu.dimension_semantics<core_parallel>, #tpu.dimension_semantics<subcore_parallel>], iteration_bounds = array<i64: 2, 16>, scalar_prefetch = 0 : i64, scratch_operands = 5 : i64, tpu.core_type = #tpu.core_type<sc_vector_subcore>, window_params = [{transform_indices = #map}, {transform_indices = #map}, {transform_indices = #map}, {transform_indices = #map}]} {
    %mul3A = arith.constant 2 : i32
    %mul3A_0 = arith.muli %arg1, %mul3A : i32
    %add3A = arith.addi %mul3A_0, %arg0 : i32
    %mul3A_1 = arith.constant 10000 : i32
    %mul3A_2 = arith.muli %add3A, %mul3A_1 : i32
    "tpu.region"() ({
      %run_scoped3A = tpu.sem_alloc : memref<!tpu.dma_semaphore, #tpu.memory_space<semaphore_mem>>
      %dma_start3A = tpu.memref_slice %arg2[%mul3A_2] : memref<320000xf32, #tpu.memory_space<hbm>> -> memref<10000xf32, #tpu.memory_space<hbm>>
      %dma_start3A_722 = tpu.memref_slice %arg2[%mul3A_2] : memref<320000xf32, #tpu.memory_space<hbm>> -> memref<10000xf32, #tpu.memory_space<hbm>>
      tpu.enqueue_dma source(%dma_start3A_722 : memref<10000xf32, #tpu.memory_space<hbm>>) target(%arg6 : memref<10000xf32, #tpu.memory_space<vmem>>) target_semaphore(%run_scoped3A : memref<!tpu.dma_semaphore, #tpu.memory_space<semaphore_mem>>)
      %dma_wait3A = tpu.memref_slice %arg2[%mul3A_2] : memref<320000xf32, #tpu.memory_space<hbm>> -> memref<10000xf32, #tpu.memory_space<hbm>>
      %dma_wait3A_723 = tpu.memref_slice %arg2[%mul3A_2] : memref<320000xf32, #tpu.memory_space<hbm>> -> memref<10000xf32, #tpu.memory_space<hbm>>
      tpu.wait_dma2 semaphore(%run_scoped3A : memref<!tpu.dma_semaphore, #tpu.memory_space<semaphore_mem>>) src(%dma_wait3A_723 : memref<10000xf32, #tpu.memory_space<hbm>>) dst(%arg6 : memref<10000xf32, #tpu.memory_space<vmem>>)
      tpu.yield
    }) : () -> ()
    "tpu.region"() ({
      %run_scoped3A = tpu.sem_alloc : memref<!tpu.dma_semaphore, #tpu.memory_space<semaphore_mem>>
      %dma_start3A = arith.constant 0 : i32
      %dma_start3A_722 = tpu.memref_slice %arg7[%dma_start3A] : memref<10016xi32, #tpu.memory_space<vmem>> -> memref<10000xi32, #tpu.memory_space<vmem>>
      %dma_start3A_723 = tpu.memref_slice %arg3[%mul3A_2] : memref<320000xi32, #tpu.memory_space<hbm>> -> memref<10000xi32, #tpu.memory_space<hbm>>
      %dma_start3A_724 = arith.constant 0 : i32
      %dma_start3A_725 = tpu.memref_slice %arg7[%dma_start3A_724] : memref<10016xi32, #tpu.memory_space<vmem>> -> memref<10000xi32, #tpu.memory_space<vmem>>
      %dma_start3A_726 = tpu.memref_slice %arg3[%mul3A_2] : memref<320000xi32, #tpu.memory_space<hbm>> -> memref<10000xi32, #tpu.memory_space<hbm>>
      tpu.enqueue_dma source(%dma_start3A_726 : memref<10000xi32, #tpu.memory_space<hbm>>) target(%dma_start3A_725 : memref<10000xi32, #tpu.memory_space<vmem>>) target_semaphore(%run_scoped3A : memref<!tpu.dma_semaphore, #tpu.memory_space<semaphore_mem>>)
      %dma_wait3A = arith.constant 0 : i32
      %dma_wait3A_727 = tpu.memref_slice %arg7[%dma_wait3A] : memref<10016xi32, #tpu.memory_space<vmem>> -> memref<10000xi32, #tpu.memory_space<vmem>>
      %dma_wait3A_728 = tpu.memref_slice %arg3[%mul3A_2] : memref<320000xi32, #tpu.memory_space<hbm>> -> memref<10000xi32, #tpu.memory_space<hbm>>
      %dma_wait3A_729 = arith.constant 0 : i32
      %dma_wait3A_730 = tpu.memref_slice %arg7[%dma_wait3A_729] : memref<10016xi32, #tpu.memory_space<vmem>> -> memref<10000xi32, #tpu.memory_space<vmem>>
      %dma_wait3A_731 = tpu.memref_slice %arg3[%mul3A_2] : memref<320000xi32, #tpu.memory_space<hbm>> -> memref<10000xi32, #tpu.memory_space<hbm>>
      tpu.wait_dma2 semaphore(%run_scoped3A : memref<!tpu.dma_semaphore, #tpu.memory_space<semaphore_mem>>) src(%dma_wait3A_731 : memref<10000xi32, #tpu.memory_space<hbm>>) dst(%dma_wait3A_730 : memref<10000xi32, #tpu.memory_space<vmem>>)
      tpu.yield
    }) : () -> ()
    %broadcast_in_dim3A = arith.constant -1 : i32
    %broadcast_in_dim3A_3 = vector.broadcast %broadcast_in_dim3A : i32 to vector<16xi32>
    %swap3A = arith.constant 10000 : index
    %swap3A_4 = tpu.vector_load %arg7[%swap3A] {strides = array<i32>} : memref<10016xi32, #tpu.memory_space<vmem>>, vector<16xi32>,
    tpu.vector_store %arg7[%swap3A], %broadcast_in_dim3A_3 {strides = array<i32>} : memref<10016xi32, #tpu.memory_space<vmem>>, vector<16xi32>,
    %broadcast_in_dim3A_5 = arith.constant 0.000000e+00 : f32
    %broadcast_in_dim3A_6 = vector.broadcast %broadcast_in_dim3A_5 : f32 to vector<16xf32>
    %swap3A_7 = arith.constant 0 : index
    %swap3A_8 = tpu.vector_load %arg8[%swap3A_7] {strides = array<i32>} : memref<256xf32, #tpu.memory_space<vmem>>, vector<16xf32>,
    tpu.vector_store %arg8[%swap3A_7], %broadcast_in_dim3A_6 {strides = array<i32>} : memref<256xf32, #tpu.memory_space<vmem>>, vector<16xf32>,
    %swap3A_9 = arith.constant 0 : index
    %swap3A_10 = tpu.vector_load %arg9[%swap3A_9] {strides = array<i32>} : memref<256xf32, #tpu.memory_space<vmem>>, vector<16xf32>,
    tpu.vector_store %arg9[%swap3A_9], %broadcast_in_dim3A_6 {strides = array<i32>} : memref<256xf32, #tpu.memory_space<vmem>>, vector<16xf32>,
    %swap3A_11 = arith.constant 16 : index
    %swap3A_12 = tpu.vector_load %arg8[%swap3A_11] {strides = array<i32>} : memref<256xf32, #tpu.memory_space<vmem>>, vector<16xf32>,
    tpu.vector_store %arg8[%swap3A_11], %broadcast_in_dim3A_6 {strides = array<i32>} : memref<256xf32, #tpu.memory_space<vmem>>, vector<16xf32>,
    %swap3A_13 = arith.constant 16 : index
    %swap3A_14 = tpu.vector_load %arg9[%swap3A_13] {strides = array<i32>} : memref<256xf32, #tpu.memory_space<vmem>>, vector<16xf32>,
    tpu.vector_store %arg9[%swap3A_13], %broadcast_in_dim3A_6 {strides = array<i32>} : memref<256xf32, #tpu.memory_space<vmem>>, vector<16xf32>,
    %swap3A_15 = arith.constant 32 : index
    %swap3A_16 = tpu.vector_load %arg8[%swap3A_15] {strides = array<i32>} : memref<256xf32, #tpu.memory_space<vmem>>, vector<16xf32>,
    tpu.vector_store %arg8[%swap3A_15], %broadcast_in_dim3A_6 {strides = array<i32>} : memref<256xf32, #tpu.memory_space<vmem>>, vector<16xf32>,
    %swap3A_17 = arith.constant 32 : index
    %swap3A_18 = tpu.vector_load %arg9[%swap3A_17] {strides = array<i32>} : memref<256xf32, #tpu.memory_space<vmem>>, vector<16xf32>,
    tpu.vector_store %arg9[%swap3A_17], %broadcast_in_dim3A_6 {strides = array<i32>} : memref<256xf32, #tpu.memory_space<vmem>>, vector<16xf32>,
    %swap3A_19 = arith.constant 48 : index
    %swap3A_20 = tpu.vector_load %arg8[%swap3A_19] {strides = array<i32>} : memref<256xf32, #tpu.memory_space<vmem>>, vector<16xf32>,
    tpu.vector_store %arg8[%swap3A_19], %broadcast_in_dim3A_6 {strides = array<i32>} : memref<256xf32, #tpu.memory_space<vmem>>, vector<16xf32>,
    %swap3A_21 = arith.constant 48 : index
    %swap3A_22 = tpu.vector_load %arg9[%swap3A_21] {strides = array<i32>} : memref<256xf32, #tpu.memory_space<vmem>>, vector<16xf32>,
    tpu.vector_store %arg9[%swap3A_21], %broadcast_in_dim3A_6 {strides = array<i32>} : memref<256xf32, #tpu.memory_space<vmem>>, vector<16xf32>,
    %swap3A_23 = arith.constant 64 : index
    %swap3A_24 = tpu.vector_load %arg8[%swap3A_23] {strides = array<i32>} : memref<256xf32, #tpu.memory_space<vmem>>, vector<16xf32>,
    tpu.vector_store %arg8[%swap3A_23], %broadcast_in_dim3A_6 {strides = array<i32>} : memref<256xf32, #tpu.memory_space<vmem>>, vector<16xf32>,
    %swap3A_25 = arith.constant 64 : index
    %swap3A_26 = tpu.vector_load %arg9[%swap3A_25] {strides = array<i32>} : memref<256xf32, #tpu.memory_space<vmem>>, vector<16xf32>,
    tpu.vector_store %arg9[%swap3A_25], %broadcast_in_dim3A_6 {strides = array<i32>} : memref<256xf32, #tpu.memory_space<vmem>>, vector<16xf32>,
    %swap3A_27 = arith.constant 80 : index
    %swap3A_28 = tpu.vector_load %arg8[%swap3A_27] {strides = array<i32>} : memref<256xf32, #tpu.memory_space<vmem>>, vector<16xf32>,
    tpu.vector_store %arg8[%swap3A_27], %broadcast_in_dim3A_6 {strides = array<i32>} : memref<256xf32, #tpu.memory_space<vmem>>, vector<16xf32>,
    %swap3A_29 = arith.constant 80 : index
    %swap3A_30 = tpu.vector_load %arg9[%swap3A_29] {strides = array<i32>} : memref<256xf32, #tpu.memory_space<vmem>>, vector<16xf32>,
    tpu.vector_store %arg9[%swap3A_29], %broadcast_in_dim3A_6 {strides = array<i32>} : memref<256xf32, #tpu.memory_space<vmem>>, vector<16xf32>,
    %swap3A_31 = arith.constant 96 : index
    %swap3A_32 = tpu.vector_load %arg8[%swap3A_31] {strides = array<i32>} : memref<256xf32, #tpu.memory_space<vmem>>, vector<16xf32>,
    tpu.vector_store %arg8[%swap3A_31], %broadcast_in_dim3A_6 {strides = array<i32>} : memref<256xf32, #tpu.memory_space<vmem>>, vector<16xf32>,
    %swap3A_33 = arith.constant 96 : index
    %swap3A_34 = tpu.vector_load %arg9[%swap3A_33] {strides = array<i32>} : memref<256xf32, #tpu.memory_space<vmem>>, vector<16xf32>,
    tpu.vector_store %arg9[%swap3A_33], %broadcast_in_dim3A_6 {strides = array<i32>} : memref<256xf32, #tpu.memory_space<vmem>>, vector<16xf32>,
    %swap3A_35 = arith.constant 112 : index
    %swap3A_36 = tpu.vector_load %arg8[%swap3A_35] {strides = array<i32>} : memref<256xf32, #tpu.memory_space<vmem>>, vector<16xf32>,
    tpu.vector_store %arg8[%swap3A_35], %broadcast_in_dim3A_6 {strides = array<i32>} : memref<256xf32, #tpu.memory_space<vmem>>, vector<16xf32>,
    %swap3A_37 = arith.constant 112 : index
    %swap3A_38 = tpu.vector_load %arg9[%swap3A_37] {strides = array<i32>} : memref<256xf32, #tpu.memory_space<vmem>>, vector<16xf32>,
    tpu.vector_store %arg9[%swap3A_37], %broadcast_in_dim3A_6 {strides = array<i32>} : memref<256xf32, #tpu.memory_space<vmem>>, vector<16xf32>,
    %swap3A_39 = arith.constant 128 : index
    %swap3A_40 = tpu.vector_load %arg8[%swap3A_39] {strides = array<i32>} : memref<256xf32, #tpu.memory_space<vmem>>, vector<16xf32>,
    tpu.vector_store %arg8[%swap3A_39], %broadcast_in_dim3A_6 {strides = array<i32>} : memref<256xf32, #tpu.memory_space<vmem>>, vector<16xf32>,
    %swap3A_41 = arith.constant 128 : index
    %swap3A_42 = tpu.vector_load %arg9[%swap3A_41] {strides = array<i32>} : memref<256xf32, #tpu.memory_space<vmem>>, vector<16xf32>,
    tpu.vector_store %arg9[%swap3A_41], %broadcast_in_dim3A_6 {strides = array<i32>} : memref<256xf32, #tpu.memory_space<vmem>>, vector<16xf32>,
    %swap3A_43 = arith.constant 144 : index
    %swap3A_44 = tpu.vector_load %arg8[%swap3A_43] {strides = array<i32>} : memref<256xf32, #tpu.memory_space<vmem>>, vector<16xf32>,
    tpu.vector_store %arg8[%swap3A_43], %broadcast_in_dim3A_6 {strides = array<i32>} : memref<256xf32, #tpu.memory_space<vmem>>, vector<16xf32>,
    %swap3A_45 = arith.constant 144 : index
    %swap3A_46 = tpu.vector_load %arg9[%swap3A_45] {strides = array<i32>} : memref<256xf32, #tpu.memory_space<vmem>>, vector<16xf32>,
    tpu.vector_store %arg9[%swap3A_45], %broadcast_in_dim3A_6 {strides = array<i32>} : memref<256xf32, #tpu.memory_space<vmem>>, vector<16xf32>,
    %swap3A_47 = arith.constant 160 : index
    %swap3A_48 = tpu.vector_load %arg8[%swap3A_47] {strides = array<i32>} : memref<256xf32, #tpu.memory_space<vmem>>, vector<16xf32>,
    tpu.vector_store %arg8[%swap3A_47], %broadcast_in_dim3A_6 {strides = array<i32>} : memref<256xf32, #tpu.memory_space<vmem>>, vector<16xf32>,
    %swap3A_49 = arith.constant 160 : index
    %swap3A_50 = tpu.vector_load %arg9[%swap3A_49] {strides = array<i32>} : memref<256xf32, #tpu.memory_space<vmem>>, vector<16xf32>,
    tpu.vector_store %arg9[%swap3A_49], %broadcast_in_dim3A_6 {strides = array<i32>} : memref<256xf32, #tpu.memory_space<vmem>>, vector<16xf32>,
    %swap3A_51 = arith.constant 176 : index
    %swap3A_52 = tpu.vector_load %arg8[%swap3A_51] {strides = array<i32>} : memref<256xf32, #tpu.memory_space<vmem>>, vector<16xf32>,
    tpu.vector_store %arg8[%swap3A_51], %broadcast_in_dim3A_6 {strides = array<i32>} : memref<256xf32, #tpu.memory_space<vmem>>, vector<16xf32>,
    %swap3A_53 = arith.constant 176 : index
    %swap3A_54 = tpu.vector_load %arg9[%swap3A_53] {strides = array<i32>} : memref<256xf32, #tpu.memory_space<vmem>>, vector<16xf32>,
    tpu.vector_store %arg9[%swap3A_53], %broadcast_in_dim3A_6 {strides = array<i32>} : memref<256xf32, #tpu.memory_space<vmem>>, vector<16xf32>,
    %swap3A_55 = arith.constant 192 : index
    %swap3A_56 = tpu.vector_load %arg8[%swap3A_55] {strides = array<i32>} : memref<256xf32, #tpu.memory_space<vmem>>, vector<16xf32>,
    tpu.vector_store %arg8[%swap3A_55], %broadcast_in_dim3A_6 {strides = array<i32>} : memref<256xf32, #tpu.memory_space<vmem>>, vector<16xf32>,
    %swap3A_57 = arith.constant 192 : index
    %swap3A_58 = tpu.vector_load %arg9[%swap3A_57] {strides = array<i32>} : memref<256xf32, #tpu.memory_space<vmem>>, vector<16xf32>,
    tpu.vector_store %arg9[%swap3A_57], %broadcast_in_dim3A_6 {strides = array<i32>} : memref<256xf32, #tpu.memory_space<vmem>>, vector<16xf32>,
    %swap3A_59 = arith.constant 208 : index
    %swap3A_60 = tpu.vector_load %arg8[%swap3A_59] {strides = array<i32>} : memref<256xf32, #tpu.memory_space<vmem>>, vector<16xf32>,
    tpu.vector_store %arg8[%swap3A_59], %broadcast_in_dim3A_6 {strides = array<i32>} : memref<256xf32, #tpu.memory_space<vmem>>, vector<16xf32>,
    %swap3A_61 = arith.constant 208 : index
    %swap3A_62 = tpu.vector_load %arg9[%swap3A_61] {strides = array<i32>} : memref<256xf32, #tpu.memory_space<vmem>>, vector<16xf32>,
    tpu.vector_store %arg9[%swap3A_61], %broadcast_in_dim3A_6 {strides = array<i32>} : memref<256xf32, #tpu.memory_space<vmem>>, vector<16xf32>,
    %swap3A_63 = arith.constant 224 : index
    %swap3A_64 = tpu.vector_load %arg8[%swap3A_63] {strides = array<i32>} : memref<256xf32, #tpu.memory_space<vmem>>, vector<16xf32>,
    tpu.vector_store %arg8[%swap3A_63], %broadcast_in_dim3A_6 {strides = array<i32>} : memref<256xf32, #tpu.memory_space<vmem>>, vector<16xf32>,
    %swap3A_65 = arith.constant 224 : index
    %swap3A_66 = tpu.vector_load %arg9[%swap3A_65] {strides = array<i32>} : memref<256xf32, #tpu.memory_space<vmem>>, vector<16xf32>,
    tpu.vector_store %arg9[%swap3A_65], %broadcast_in_dim3A_6 {strides = array<i32>} : memref<256xf32, #tpu.memory_space<vmem>>, vector<16xf32>,
    %swap3A_67 = arith.constant 240 : index
    %swap3A_68 = tpu.vector_load %arg8[%swap3A_67] {strides = array<i32>} : memref<256xf32, #tpu.memory_space<vmem>>, vector<16xf32>,
    tpu.vector_store %arg8[%swap3A_67], %broadcast_in_dim3A_6 {strides = array<i32>} : memref<256xf32, #tpu.memory_space<vmem>>, vector<16xf32>,
    %swap3A_69 = arith.constant 240 : index
    %swap3A_70 = tpu.vector_load %arg9[%swap3A_69] {strides = array<i32>} : memref<256xf32, #tpu.memory_space<vmem>>, vector<16xf32>,
    tpu.vector_store %arg9[%swap3A_69], %broadcast_in_dim3A_6 {strides = array<i32>} : memref<256xf32, #tpu.memory_space<vmem>>, vector<16xf32>,
    %iota3A = tpu.iota {dimensions = array<i32: 0>} : vector<16xi32>
    %scan3A = arith.constant 0.000000e+00 : f32
    %scan3A_71 = arith.constant 0 : i32
    %scan3A_72 = arith.constant 625 : i32
    %scan3A_73 = arith.addi %scan3A_71, %scan3A_72 : i32
    %scan3A_74 = arith.constant 1 : i32
    %scan3A_75 = scf.for %scan3A_722 = %scan3A_71 to %scan3A_73 step %scan3A_74 iter_args(%scan3A_723 = %scan3A) -> (f32)  : i32 {
      %mul3A_724 = arith.constant 16 : i32
      %mul3A_725 = arith.muli %scan3A_722, %mul3A_724 : i32
      %get3A_726 = arith.index_cast %mul3A_725 : i32 to index
      %get3A_727 = tpu.vector_load %arg6[%get3A_726] {strides = array<i32>} : memref<10000xf32, #tpu.memory_space<vmem>>, vector<16xf32>,
      %mul3A_728 = arith.constant 16 : i32
      %mul3A_729 = arith.muli %scan3A_722, %mul3A_728 : i32
      %get3A_730 = arith.index_cast %mul3A_729 : i32 to index
      %get3A_731 = tpu.vector_load %arg7[%get3A_730] {strides = array<i32>} : memref<10016xi32, #tpu.memory_space<vmem>>, vector<16xi32>,
      %mul3A_732 = arith.constant 16 : i32
      %mul3A_733 = arith.muli %scan3A_722, %mul3A_732 : i32
      %add3A_734 = arith.constant 1 : i32
      %add3A_735 = arith.addi %mul3A_733, %add3A_734 : i32
      %get3A_736 = arith.index_cast %add3A_735 : i32 to index
      %get3A_737 = tpu.vector_load %arg7[%get3A_736] {strides = array<i32>} : memref<10016xi32, #tpu.memory_space<vmem>>, vector<16xi32>,
      %ne3A = arith.cmpi ne, %get3A_731, %get3A_737 : vector<16xi32>
      %broadcast_in_dim3A_738 = arith.constant true
      %broadcast_in_dim3A_739 = vector.broadcast %broadcast_in_dim3A_738 : i1 to vector<16xi1>
      %masked_cumsum3A = tpu.scan <sum>, %get3A_727 masked %broadcast_in_dim3A_739 : vector<16xf32>, vector<16xi1> -> vector<16xf32>
      %add3A_740 = vector.broadcast %scan3A_723 : f32 to vector<16xf32>
      %add3A_741 = arith.addf %masked_cumsum3A, %add3A_740 : vector<16xf32>
      %mul3A_742 = arith.constant 16 : i32
      %mul3A_743 = arith.muli %scan3A_722, %mul3A_742 : i32
      %add3A_744 = vector.broadcast %mul3A_743 : i32 to vector<16xi32>
      %add3A_745 = arith.addi %add3A_744, %iota3A : vector<16xi32>
      %add3A_746 = arith.constant 1 : i32
      %add3A_747 = vector.broadcast %add3A_746 : i32 to vector<16xi32>
      %add3A_748 = arith.addi %add3A_745, %add3A_747 : vector<16xi32>
      %convert_element_type3A = arith.sitofp %add3A_748 : vector<16xi32> to vector<16xf32>
      tpu.vector_store_idx %arg8[%get3A_731], %add3A_741 masked %ne3A : memref<256xf32, #tpu.memory_space<vmem>>[vector<16xi32>], vector<16xf32>, vector<16xi1>
      tpu.vector_store_idx %arg9[%get3A_731], %convert_element_type3A masked %ne3A : memref<256xf32, #tpu.memory_space<vmem>>[vector<16xi32>], vector<16xf32>, vector<16xi1>
      %reduce_sum3A = arith.constant true
      %reduce_sum3A_749 = vector.broadcast %reduce_sum3A : i1 to vector<16xi1>
      %reduce_sum3A_750 = tpu.scan <sum>, %get3A_727 masked %reduce_sum3A_749 : vector<16xf32>, vector<16xi1> -> vector<16xf32>
      %reduce_sum3A_751 = vector.extract %reduce_sum3A_750[15] : f32 from vector<16xf32>
      %add3A_752 = arith.addf %scan3A_723, %reduce_sum3A_751 : f32
      scf.yield %add3A_752 : f32
    }
    %scan3A_76 = arith.constant 625 : i32
    %swap3A_77 = arith.constant 0 : index
    %swap3A_78 = tpu.vector_load %arg10[%swap3A_77] {strides = array<i32>} : memref<272xf32, #tpu.memory_space<vmem>>, vector<16xf32>,
    tpu.vector_store %arg10[%swap3A_77], %broadcast_in_dim3A_6 {strides = array<i32>} : memref<272xf32, #tpu.memory_space<vmem>>, vector<16xf32>,
    %get3A = arith.constant 0 : index
    %get3A_79 = tpu.vector_load %arg8[%get3A] {strides = array<i32>} : memref<256xf32, #tpu.memory_space<vmem>>, vector<16xf32>,
    %broadcast_in_dim3A_80 = arith.constant true
    %broadcast_in_dim3A_81 = vector.broadcast %broadcast_in_dim3A_80 : i1 to vector<16xi1>
    %masked_cummax3A = tpu.scan <max>, %get3A_79 masked %broadcast_in_dim3A_81 : vector<16xf32>, vector<16xi1> -> vector<16xf32>
    %max3A = arith.constant 0.000000e+00 : f32
    %max3A_82 = vector.broadcast %max3A : f32 to vector<16xf32>
    %max3A_83 = arith.maximumf %masked_cummax3A, %max3A_82 : vector<16xf32>
    %swap3A_84 = arith.constant 16 : index
    %swap3A_85 = tpu.vector_load %arg10[%swap3A_84] {strides = array<i32>} : memref<272xf32, #tpu.memory_space<vmem>>, vector<16xf32>,
    tpu.vector_store %arg10[%swap3A_84], %max3A_83 {strides = array<i32>} : memref<272xf32, #tpu.memory_space<vmem>>, vector<16xf32>,
    %reduce_max3A = arith.constant true
    %reduce_max3A_86 = vector.broadcast %reduce_max3A : i1 to vector<16xi1>
    %reduce_max3A_87 = tpu.scan <max>, %max3A_83 masked %reduce_max3A_86 : vector<16xf32>, vector<16xi1> -> vector<16xf32>
    %reduce_max3A_88 = vector.extract %reduce_max3A_87[15] : f32 from vector<16xf32>
    %get3A_89 = arith.constant 16 : index
    %get3A_90 = tpu.vector_load %arg8[%get3A_89] {strides = array<i32>} : memref<256xf32, #tpu.memory_space<vmem>>, vector<16xf32>,
    %broadcast_in_dim3A_91 = arith.constant true
    %broadcast_in_dim3A_92 = vector.broadcast %broadcast_in_dim3A_91 : i1 to vector<16xi1>
    %masked_cummax3A_93 = tpu.scan <max>, %get3A_90 masked %broadcast_in_dim3A_92 : vector<16xf32>, vector<16xi1> -> vector<16xf32>
    %max3A_94 = vector.broadcast %reduce_max3A_88 : f32 to vector<16xf32>
    %max3A_95 = arith.maximumf %masked_cummax3A_93, %max3A_94 : vector<16xf32>
    %swap3A_96 = arith.constant 32 : index
    %swap3A_97 = tpu.vector_load %arg10[%swap3A_96] {strides = array<i32>} : memref<272xf32, #tpu.memory_space<vmem>>, vector<16xf32>,
    tpu.vector_store %arg10[%swap3A_96], %max3A_95 {strides = array<i32>} : memref<272xf32, #tpu.memory_space<vmem>>, vector<16xf32>,
    %reduce_max3A_98 = arith.constant true
    %reduce_max3A_99 = vector.broadcast %reduce_max3A_98 : i1 to vector<16xi1>
    %reduce_max3A_100 = tpu.scan <max>, %max3A_95 masked %reduce_max3A_99 : vector<16xf32>, vector<16xi1> -> vector<16xf32>
    %reduce_max3A_101 = vector.extract %reduce_max3A_100[15] : f32 from vector<16xf32>
    %get3A_102 = arith.constant 32 : index
    %get3A_103 = tpu.vector_load %arg8[%get3A_102] {strides = array<i32>} : memref<256xf32, #tpu.memory_space<vmem>>, vector<16xf32>,
    %broadcast_in_dim3A_104 = arith.constant true
    %broadcast_in_dim3A_105 = vector.broadcast %broadcast_in_dim3A_104 : i1 to vector<16xi1>
    %masked_cummax3A_106 = tpu.scan <max>, %get3A_103 masked %broadcast_in_dim3A_105 : vector<16xf32>, vector<16xi1> -> vector<16xf32>
    %max3A_107 = vector.broadcast %reduce_max3A_101 : f32 to vector<16xf32>
    %max3A_108 = arith.maximumf %masked_cummax3A_106, %max3A_107 : vector<16xf32>
    %swap3A_109 = arith.constant 48 : index
    %swap3A_110 = tpu.vector_load %arg10[%swap3A_109] {strides = array<i32>} : memref<272xf32, #tpu.memory_space<vmem>>, vector<16xf32>,
    tpu.vector_store %arg10[%swap3A_109], %max3A_108 {strides = array<i32>} : memref<272xf32, #tpu.memory_space<vmem>>, vector<16xf32>,
    %reduce_max3A_111 = arith.constant true
    %reduce_max3A_112 = vector.broadcast %reduce_max3A_111 : i1 to vector<16xi1>
    %reduce_max3A_113 = tpu.scan <max>, %max3A_108 masked %reduce_max3A_112 : vector<16xf32>, vector<16xi1> -> vector<16xf32>
    %reduce_max3A_114 = vector.extract %reduce_max3A_113[15] : f32 from vector<16xf32>
    %get3A_115 = arith.constant 48 : index
    %get3A_116 = tpu.vector_load %arg8[%get3A_115] {strides = array<i32>} : memref<256xf32, #tpu.memory_space<vmem>>, vector<16xf32>,
    %broadcast_in_dim3A_117 = arith.constant true
    %broadcast_in_dim3A_118 = vector.broadcast %broadcast_in_dim3A_117 : i1 to vector<16xi1>
    %masked_cummax3A_119 = tpu.scan <max>, %get3A_116 masked %broadcast_in_dim3A_118 : vector<16xf32>, vector<16xi1> -> vector<16xf32>
    %max3A_120 = vector.broadcast %reduce_max3A_114 : f32 to vector<16xf32>
    %max3A_121 = arith.maximumf %masked_cummax3A_119, %max3A_120 : vector<16xf32>
    %swap3A_122 = arith.constant 64 : index
    %swap3A_123 = tpu.vector_load %arg10[%swap3A_122] {strides = array<i32>} : memref<272xf32, #tpu.memory_space<vmem>>, vector<16xf32>,
    tpu.vector_store %arg10[%swap3A_122], %max3A_121 {strides = array<i32>} : memref<272xf32, #tpu.memory_space<vmem>>, vector<16xf32>,
    %reduce_max3A_124 = arith.constant true
    %reduce_max3A_125 = vector.broadcast %reduce_max3A_124 : i1 to vector<16xi1>
    %reduce_max3A_126 = tpu.scan <max>, %max3A_121 masked %reduce_max3A_125 : vector<16xf32>, vector<16xi1> -> vector<16xf32>
    %reduce_max3A_127 = vector.extract %reduce_max3A_126[15] : f32 from vector<16xf32>
    %get3A_128 = arith.constant 64 : index
    %get3A_129 = tpu.vector_load %arg8[%get3A_128] {strides = array<i32>} : memref<256xf32, #tpu.memory_space<vmem>>, vector<16xf32>,
    %broadcast_in_dim3A_130 = arith.constant true
    %broadcast_in_dim3A_131 = vector.broadcast %broadcast_in_dim3A_130 : i1 to vector<16xi1>
    %masked_cummax3A_132 = tpu.scan <max>, %get3A_129 masked %broadcast_in_dim3A_131 : vector<16xf32>, vector<16xi1> -> vector<16xf32>
    %max3A_133 = vector.broadcast %reduce_max3A_127 : f32 to vector<16xf32>
    %max3A_134 = arith.maximumf %masked_cummax3A_132, %max3A_133 : vector<16xf32>
    %swap3A_135 = arith.constant 80 : index
    %swap3A_136 = tpu.vector_load %arg10[%swap3A_135] {strides = array<i32>} : memref<272xf32, #tpu.memory_space<vmem>>, vector<16xf32>,
    tpu.vector_store %arg10[%swap3A_135], %max3A_134 {strides = array<i32>} : memref<272xf32, #tpu.memory_space<vmem>>, vector<16xf32>,
    %reduce_max3A_137 = arith.constant true
    %reduce_max3A_138 = vector.broadcast %reduce_max3A_137 : i1 to vector<16xi1>
    %reduce_max3A_139 = tpu.scan <max>, %max3A_134 masked %reduce_max3A_138 : vector<16xf32>, vector<16xi1> -> vector<16xf32>
    %reduce_max3A_140 = vector.extract %reduce_max3A_139[15] : f32 from vector<16xf32>
    %get3A_141 = arith.constant 80 : index
    %get3A_142 = tpu.vector_load %arg8[%get3A_141] {strides = array<i32>} : memref<256xf32, #tpu.memory_space<vmem>>, vector<16xf32>,
    %broadcast_in_dim3A_143 = arith.constant true
    %broadcast_in_dim3A_144 = vector.broadcast %broadcast_in_dim3A_143 : i1 to vector<16xi1>
    %masked_cummax3A_145 = tpu.scan <max>, %get3A_142 masked %broadcast_in_dim3A_144 : vector<16xf32>, vector<16xi1> -> vector<16xf32>
    %max3A_146 = vector.broadcast %reduce_max3A_140 : f32 to vector<16xf32>
    %max3A_147 = arith.maximumf %masked_cummax3A_145, %max3A_146 : vector<16xf32>
    %swap3A_148 = arith.constant 96 : index
    %swap3A_149 = tpu.vector_load %arg10[%swap3A_148] {strides = array<i32>} : memref<272xf32, #tpu.memory_space<vmem>>, vector<16xf32>,
    tpu.vector_store %arg10[%swap3A_148], %max3A_147 {strides = array<i32>} : memref<272xf32, #tpu.memory_space<vmem>>, vector<16xf32>,
    %reduce_max3A_150 = arith.constant true
    %reduce_max3A_151 = vector.broadcast %reduce_max3A_150 : i1 to vector<16xi1>
    %reduce_max3A_152 = tpu.scan <max>, %max3A_147 masked %reduce_max3A_151 : vector<16xf32>, vector<16xi1> -> vector<16xf32>
    %reduce_max3A_153 = vector.extract %reduce_max3A_152[15] : f32 from vector<16xf32>
    %get3A_154 = arith.constant 96 : index
    %get3A_155 = tpu.vector_load %arg8[%get3A_154] {strides = array<i32>} : memref<256xf32, #tpu.memory_space<vmem>>, vector<16xf32>,
    %broadcast_in_dim3A_156 = arith.constant true
    %broadcast_in_dim3A_157 = vector.broadcast %broadcast_in_dim3A_156 : i1 to vector<16xi1>
    %masked_cummax3A_158 = tpu.scan <max>, %get3A_155 masked %broadcast_in_dim3A_157 : vector<16xf32>, vector<16xi1> -> vector<16xf32>
    %max3A_159 = vector.broadcast %reduce_max3A_153 : f32 to vector<16xf32>
    %max3A_160 = arith.maximumf %masked_cummax3A_158, %max3A_159 : vector<16xf32>
    %swap3A_161 = arith.constant 112 : index
    %swap3A_162 = tpu.vector_load %arg10[%swap3A_161] {strides = array<i32>} : memref<272xf32, #tpu.memory_space<vmem>>, vector<16xf32>,
    tpu.vector_store %arg10[%swap3A_161], %max3A_160 {strides = array<i32>} : memref<272xf32, #tpu.memory_space<vmem>>, vector<16xf32>,
    %reduce_max3A_163 = arith.constant true
    %reduce_max3A_164 = vector.broadcast %reduce_max3A_163 : i1 to vector<16xi1>
    %reduce_max3A_165 = tpu.scan <max>, %max3A_160 masked %reduce_max3A_164 : vector<16xf32>, vector<16xi1> -> vector<16xf32>
    %reduce_max3A_166 = vector.extract %reduce_max3A_165[15] : f32 from vector<16xf32>
    %get3A_167 = arith.constant 112 : index
    %get3A_168 = tpu.vector_load %arg8[%get3A_167] {strides = array<i32>} : memref<256xf32, #tpu.memory_space<vmem>>, vector<16xf32>,
    %broadcast_in_dim3A_169 = arith.constant true
    %broadcast_in_dim3A_170 = vector.broadcast %broadcast_in_dim3A_169 : i1 to vector<16xi1>
    %masked_cummax3A_171 = tpu.scan <max>, %get3A_168 masked %broadcast_in_dim3A_170 : vector<16xf32>, vector<16xi1> -> vector<16xf32>
    %max3A_172 = vector.broadcast %reduce_max3A_166 : f32 to vector<16xf32>
    %max3A_173 = arith.maximumf %masked_cummax3A_171, %max3A_172 : vector<16xf32>
    %swap3A_174 = arith.constant 128 : index
    %swap3A_175 = tpu.vector_load %arg10[%swap3A_174] {strides = array<i32>} : memref<272xf32, #tpu.memory_space<vmem>>, vector<16xf32>,
    tpu.vector_store %arg10[%swap3A_174], %max3A_173 {strides = array<i32>} : memref<272xf32, #tpu.memory_space<vmem>>, vector<16xf32>,
    %reduce_max3A_176 = arith.constant true
    %reduce_max3A_177 = vector.broadcast %reduce_max3A_176 : i1 to vector<16xi1>
    %reduce_max3A_178 = tpu.scan <max>, %max3A_173 masked %reduce_max3A_177 : vector<16xf32>, vector<16xi1> -> vector<16xf32>
    %reduce_max3A_179 = vector.extract %reduce_max3A_178[15] : f32 from vector<16xf32>
    %get3A_180 = arith.constant 128 : index
    %get3A_181 = tpu.vector_load %arg8[%get3A_180] {strides = array<i32>} : memref<256xf32, #tpu.memory_space<vmem>>, vector<16xf32>,
    %broadcast_in_dim3A_182 = arith.constant true
    %broadcast_in_dim3A_183 = vector.broadcast %broadcast_in_dim3A_182 : i1 to vector<16xi1>
    %masked_cummax3A_184 = tpu.scan <max>, %get3A_181 masked %broadcast_in_dim3A_183 : vector<16xf32>, vector<16xi1> -> vector<16xf32>
    %max3A_185 = vector.broadcast %reduce_max3A_179 : f32 to vector<16xf32>
    %max3A_186 = arith.maximumf %masked_cummax3A_184, %max3A_185 : vector<16xf32>
    %swap3A_187 = arith.constant 144 : index
    %swap3A_188 = tpu.vector_load %arg10[%swap3A_187] {strides = array<i32>} : memref<272xf32, #tpu.memory_space<vmem>>, vector<16xf32>,
    tpu.vector_store %arg10[%swap3A_187], %max3A_186 {strides = array<i32>} : memref<272xf32, #tpu.memory_space<vmem>>, vector<16xf32>,
    %reduce_max3A_189 = arith.constant true
    %reduce_max3A_190 = vector.broadcast %reduce_max3A_189 : i1 to vector<16xi1>
    %reduce_max3A_191 = tpu.scan <max>, %max3A_186 masked %reduce_max3A_190 : vector<16xf32>, vector<16xi1> -> vector<16xf32>
    %reduce_max3A_192 = vector.extract %reduce_max3A_191[15] : f32 from vector<16xf32>
    %get3A_193 = arith.constant 144 : index
    %get3A_194 = tpu.vector_load %arg8[%get3A_193] {strides = array<i32>} : memref<256xf32, #tpu.memory_space<vmem>>, vector<16xf32>,
    %broadcast_in_dim3A_195 = arith.constant true
    %broadcast_in_dim3A_196 = vector.broadcast %broadcast_in_dim3A_195 : i1 to vector<16xi1>
    %masked_cummax3A_197 = tpu.scan <max>, %get3A_194 masked %broadcast_in_dim3A_196 : vector<16xf32>, vector<16xi1> -> vector<16xf32>
    %max3A_198 = vector.broadcast %reduce_max3A_192 : f32 to vector<16xf32>
    %max3A_199 = arith.maximumf %masked_cummax3A_197, %max3A_198 : vector<16xf32>
    %swap3A_200 = arith.constant 160 : index
    %swap3A_201 = tpu.vector_load %arg10[%swap3A_200] {strides = array<i32>} : memref<272xf32, #tpu.memory_space<vmem>>, vector<16xf32>,
    tpu.vector_store %arg10[%swap3A_200], %max3A_199 {strides = array<i32>} : memref<272xf32, #tpu.memory_space<vmem>>, vector<16xf32>,
    %reduce_max3A_202 = arith.constant true
    %reduce_max3A_203 = vector.broadcast %reduce_max3A_202 : i1 to vector<16xi1>
    %reduce_max3A_204 = tpu.scan <max>, %max3A_199 masked %reduce_max3A_203 : vector<16xf32>, vector<16xi1> -> vector<16xf32>
    %reduce_max3A_205 = vector.extract %reduce_max3A_204[15] : f32 from vector<16xf32>
    %get3A_206 = arith.constant 160 : index
    %get3A_207 = tpu.vector_load %arg8[%get3A_206] {strides = array<i32>} : memref<256xf32, #tpu.memory_space<vmem>>, vector<16xf32>,
    %broadcast_in_dim3A_208 = arith.constant true
    %broadcast_in_dim3A_209 = vector.broadcast %broadcast_in_dim3A_208 : i1 to vector<16xi1>
    %masked_cummax3A_210 = tpu.scan <max>, %get3A_207 masked %broadcast_in_dim3A_209 : vector<16xf32>, vector<16xi1> -> vector<16xf32>
    %max3A_211 = vector.broadcast %reduce_max3A_205 : f32 to vector<16xf32>
    %max3A_212 = arith.maximumf %masked_cummax3A_210, %max3A_211 : vector<16xf32>
    %swap3A_213 = arith.constant 176 : index
    %swap3A_214 = tpu.vector_load %arg10[%swap3A_213] {strides = array<i32>} : memref<272xf32, #tpu.memory_space<vmem>>, vector<16xf32>,
    tpu.vector_store %arg10[%swap3A_213], %max3A_212 {strides = array<i32>} : memref<272xf32, #tpu.memory_space<vmem>>, vector<16xf32>,
    %reduce_max3A_215 = arith.constant true
    %reduce_max3A_216 = vector.broadcast %reduce_max3A_215 : i1 to vector<16xi1>
    %reduce_max3A_217 = tpu.scan <max>, %max3A_212 masked %reduce_max3A_216 : vector<16xf32>, vector<16xi1> -> vector<16xf32>
    %reduce_max3A_218 = vector.extract %reduce_max3A_217[15] : f32 from vector<16xf32>
    %get3A_219 = arith.constant 176 : index
    %get3A_220 = tpu.vector_load %arg8[%get3A_219] {strides = array<i32>} : memref<256xf32, #tpu.memory_space<vmem>>, vector<16xf32>,
    %broadcast_in_dim3A_221 = arith.constant true
    %broadcast_in_dim3A_222 = vector.broadcast %broadcast_in_dim3A_221 : i1 to vector<16xi1>
    %masked_cummax3A_223 = tpu.scan <max>, %get3A_220 masked %broadcast_in_dim3A_222 : vector<16xf32>, vector<16xi1> -> vector<16xf32>
    %max3A_224 = vector.broadcast %reduce_max3A_218 : f32 to vector<16xf32>
    %max3A_225 = arith.maximumf %masked_cummax3A_223, %max3A_224 : vector<16xf32>
    %swap3A_226 = arith.constant 192 : index
    %swap3A_227 = tpu.vector_load %arg10[%swap3A_226] {strides = array<i32>} : memref<272xf32, #tpu.memory_space<vmem>>, vector<16xf32>,
    tpu.vector_store %arg10[%swap3A_226], %max3A_225 {strides = array<i32>} : memref<272xf32, #tpu.memory_space<vmem>>, vector<16xf32>,
    %reduce_max3A_228 = arith.constant true
    %reduce_max3A_229 = vector.broadcast %reduce_max3A_228 : i1 to vector<16xi1>
    %reduce_max3A_230 = tpu.scan <max>, %max3A_225 masked %reduce_max3A_229 : vector<16xf32>, vector<16xi1> -> vector<16xf32>
    %reduce_max3A_231 = vector.extract %reduce_max3A_230[15] : f32 from vector<16xf32>
    %get3A_232 = arith.constant 192 : index
    %get3A_233 = tpu.vector_load %arg8[%get3A_232] {strides = array<i32>} : memref<256xf32, #tpu.memory_space<vmem>>, vector<16xf32>,
    %broadcast_in_dim3A_234 = arith.constant true
    %broadcast_in_dim3A_235 = vector.broadcast %broadcast_in_dim3A_234 : i1 to vector<16xi1>
    %masked_cummax3A_236 = tpu.scan <max>, %get3A_233 masked %broadcast_in_dim3A_235 : vector<16xf32>, vector<16xi1> -> vector<16xf32>
    %max3A_237 = vector.broadcast %reduce_max3A_231 : f32 to vector<16xf32>
    %max3A_238 = arith.maximumf %masked_cummax3A_236, %max3A_237 : vector<16xf32>
    %swap3A_239 = arith.constant 208 : index
    %swap3A_240 = tpu.vector_load %arg10[%swap3A_239] {strides = array<i32>} : memref<272xf32, #tpu.memory_space<vmem>>, vector<16xf32>,
    tpu.vector_store %arg10[%swap3A_239], %max3A_238 {strides = array<i32>} : memref<272xf32, #tpu.memory_space<vmem>>, vector<16xf32>,
    %reduce_max3A_241 = arith.constant true
    %reduce_max3A_242 = vector.broadcast %reduce_max3A_241 : i1 to vector<16xi1>
    %reduce_max3A_243 = tpu.scan <max>, %max3A_238 masked %reduce_max3A_242 : vector<16xf32>, vector<16xi1> -> vector<16xf32>
    %reduce_max3A_244 = vector.extract %reduce_max3A_243[15] : f32 from vector<16xf32>
    %get3A_245 = arith.constant 208 : index
    %get3A_246 = tpu.vector_load %arg8[%get3A_245] {strides = array<i32>} : memref<256xf32, #tpu.memory_space<vmem>>, vector<16xf32>,
    %broadcast_in_dim3A_247 = arith.constant true
    %broadcast_in_dim3A_248 = vector.broadcast %broadcast_in_dim3A_247 : i1 to vector<16xi1>
    %masked_cummax3A_249 = tpu.scan <max>, %get3A_246 masked %broadcast_in_dim3A_248 : vector<16xf32>, vector<16xi1> -> vector<16xf32>
    %max3A_250 = vector.broadcast %reduce_max3A_244 : f32 to vector<16xf32>
    %max3A_251 = arith.maximumf %masked_cummax3A_249, %max3A_250 : vector<16xf32>
    %swap3A_252 = arith.constant 224 : index
    %swap3A_253 = tpu.vector_load %arg10[%swap3A_252] {strides = array<i32>} : memref<272xf32, #tpu.memory_space<vmem>>, vector<16xf32>,
    tpu.vector_store %arg10[%swap3A_252], %max3A_251 {strides = array<i32>} : memref<272xf32, #tpu.memory_space<vmem>>, vector<16xf32>,
    %reduce_max3A_254 = arith.constant true
    %reduce_max3A_255 = vector.broadcast %reduce_max3A_254 : i1 to vector<16xi1>
    %reduce_max3A_256 = tpu.scan <max>, %max3A_251 masked %reduce_max3A_255 : vector<16xf32>, vector<16xi1> -> vector<16xf32>
    %reduce_max3A_257 = vector.extract %reduce_max3A_256[15] : f32 from vector<16xf32>
    %get3A_258 = arith.constant 224 : index
    %get3A_259 = tpu.vector_load %arg8[%get3A_258] {strides = array<i32>} : memref<256xf32, #tpu.memory_space<vmem>>, vector<16xf32>,
    %broadcast_in_dim3A_260 = arith.constant true
    %broadcast_in_dim3A_261 = vector.broadcast %broadcast_in_dim3A_260 : i1 to vector<16xi1>
    %masked_cummax3A_262 = tpu.scan <max>, %get3A_259 masked %broadcast_in_dim3A_261 : vector<16xf32>, vector<16xi1> -> vector<16xf32>
    %max3A_263 = vector.broadcast %reduce_max3A_257 : f32 to vector<16xf32>
    %max3A_264 = arith.maximumf %masked_cummax3A_262, %max3A_263 : vector<16xf32>
    %swap3A_265 = arith.constant 240 : index
    %swap3A_266 = tpu.vector_load %arg10[%swap3A_265] {strides = array<i32>} : memref<272xf32, #tpu.memory_space<vmem>>, vector<16xf32>,
    tpu.vector_store %arg10[%swap3A_265], %max3A_264 {strides = array<i32>} : memref<272xf32, #tpu.memory_space<vmem>>, vector<16xf32>,
    %reduce_max3A_267 = arith.constant true
    %reduce_max3A_268 = vector.broadcast %reduce_max3A_267 : i1 to vector<16xi1>
    %reduce_max3A_269 = tpu.scan <max>, %max3A_264 masked %reduce_max3A_268 : vector<16xf32>, vector<16xi1> -> vector<16xf32>
    %reduce_max3A_270 = vector.extract %reduce_max3A_269[15] : f32 from vector<16xf32>
    %get3A_271 = arith.constant 240 : index
    %get3A_272 = tpu.vector_load %arg8[%get3A_271] {strides = array<i32>} : memref<256xf32, #tpu.memory_space<vmem>>, vector<16xf32>,
    %broadcast_in_dim3A_273 = arith.constant true
    %broadcast_in_dim3A_274 = vector.broadcast %broadcast_in_dim3A_273 : i1 to vector<16xi1>
    %masked_cummax3A_275 = tpu.scan <max>, %get3A_272 masked %broadcast_in_dim3A_274 : vector<16xf32>, vector<16xi1> -> vector<16xf32>
    %max3A_276 = vector.broadcast %reduce_max3A_270 : f32 to vector<16xf32>
    %max3A_277 = arith.maximumf %masked_cummax3A_275, %max3A_276 : vector<16xf32>
    %swap3A_278 = arith.constant 256 : index
    %swap3A_279 = tpu.vector_load %arg10[%swap3A_278] {strides = array<i32>} : memref<272xf32, #tpu.memory_space<vmem>>, vector<16xf32>,
    tpu.vector_store %arg10[%swap3A_278], %max3A_277 {strides = array<i32>} : memref<272xf32, #tpu.memory_space<vmem>>, vector<16xf32>,
    %reduce_max3A_280 = arith.constant true
    %reduce_max3A_281 = vector.broadcast %reduce_max3A_280 : i1 to vector<16xi1>
    %reduce_max3A_282 = tpu.scan <max>, %max3A_277 masked %reduce_max3A_281 : vector<16xf32>, vector<16xi1> -> vector<16xf32>
    %reduce_max3A_283 = vector.extract %reduce_max3A_282[15] : f32 from vector<16xf32>
    %get3A_284 = arith.constant 16 : index
    %get3A_285 = tpu.vector_load %arg10[%get3A_284] {strides = array<i32>} : memref<272xf32, #tpu.memory_space<vmem>>, vector<16xf32>,
    %get3A_286 = arith.constant 15 : index
    %get3A_287 = tpu.vector_load %arg10[%get3A_286] {strides = array<i32>} : memref<272xf32, #tpu.memory_space<vmem>>, vector<16xf32>,
    %sub3A = arith.subf %get3A_285, %get3A_287 : vector<16xf32>
    %swap3A_288 = arith.constant 0 : index
    %swap3A_289 = tpu.vector_load %arg8[%swap3A_288] {strides = array<i32>} : memref<256xf32, #tpu.memory_space<vmem>>, vector<16xf32>,
    tpu.vector_store %arg8[%swap3A_288], %sub3A {strides = array<i32>} : memref<256xf32, #tpu.memory_space<vmem>>, vector<16xf32>,
    %get3A_290 = arith.constant 32 : index
    %get3A_291 = tpu.vector_load %arg10[%get3A_290] {strides = array<i32>} : memref<272xf32, #tpu.memory_space<vmem>>, vector<16xf32>,
    %get3A_292 = arith.constant 31 : index
    %get3A_293 = tpu.vector_load %arg10[%get3A_292] {strides = array<i32>} : memref<272xf32, #tpu.memory_space<vmem>>, vector<16xf32>,
    %sub3A_294 = arith.subf %get3A_291, %get3A_293 : vector<16xf32>
    %swap3A_295 = arith.constant 16 : index
    %swap3A_296 = tpu.vector_load %arg8[%swap3A_295] {strides = array<i32>} : memref<256xf32, #tpu.memory_space<vmem>>, vector<16xf32>,
    tpu.vector_store %arg8[%swap3A_295], %sub3A_294 {strides = array<i32>} : memref<256xf32, #tpu.memory_space<vmem>>, vector<16xf32>,
    %get3A_297 = arith.constant 48 : index
    %get3A_298 = tpu.vector_load %arg10[%get3A_297] {strides = array<i32>} : memref<272xf32, #tpu.memory_space<vmem>>, vector<16xf32>,
    %get3A_299 = arith.constant 47 : index
    %get3A_300 = tpu.vector_load %arg10[%get3A_299] {strides = array<i32>} : memref<272xf32, #tpu.memory_space<vmem>>, vector<16xf32>,
    %sub3A_301 = arith.subf %get3A_298, %get3A_300 : vector<16xf32>
    %swap3A_302 = arith.constant 32 : index
    %swap3A_303 = tpu.vector_load %arg8[%swap3A_302] {strides = array<i32>} : memref<256xf32, #tpu.memory_space<vmem>>, vector<16xf32>,
    tpu.vector_store %arg8[%swap3A_302], %sub3A_301 {strides = array<i32>} : memref<256xf32, #tpu.memory_space<vmem>>, vector<16xf32>,
    %get3A_304 = arith.constant 64 : index
    %get3A_305 = tpu.vector_load %arg10[%get3A_304] {strides = array<i32>} : memref<272xf32, #tpu.memory_space<vmem>>, vector<16xf32>,
    %get3A_306 = arith.constant 63 : index
    %get3A_307 = tpu.vector_load %arg10[%get3A_306] {strides = array<i32>} : memref<272xf32, #tpu.memory_space<vmem>>, vector<16xf32>,
    %sub3A_308 = arith.subf %get3A_305, %get3A_307 : vector<16xf32>
    %swap3A_309 = arith.constant 48 : index
    %swap3A_310 = tpu.vector_load %arg8[%swap3A_309] {strides = array<i32>} : memref<256xf32, #tpu.memory_space<vmem>>, vector<16xf32>,
    tpu.vector_store %arg8[%swap3A_309], %sub3A_308 {strides = array<i32>} : memref<256xf32, #tpu.memory_space<vmem>>, vector<16xf32>,
    %get3A_311 = arith.constant 80 : index
    %get3A_312 = tpu.vector_load %arg10[%get3A_311] {strides = array<i32>} : memref<272xf32, #tpu.memory_space<vmem>>, vector<16xf32>,
    %get3A_313 = arith.constant 79 : index
    %get3A_314 = tpu.vector_load %arg10[%get3A_313] {strides = array<i32>} : memref<272xf32, #tpu.memory_space<vmem>>, vector<16xf32>,
    %sub3A_315 = arith.subf %get3A_312, %get3A_314 : vector<16xf32>
    %swap3A_316 = arith.constant 64 : index
    %swap3A_317 = tpu.vector_load %arg8[%swap3A_316] {strides = array<i32>} : memref<256xf32, #tpu.memory_space<vmem>>, vector<16xf32>,
    tpu.vector_store %arg8[%swap3A_316], %sub3A_315 {strides = array<i32>} : memref<256xf32, #tpu.memory_space<vmem>>, vector<16xf32>,
    %get3A_318 = arith.constant 96 : index
    %get3A_319 = tpu.vector_load %arg10[%get3A_318] {strides = array<i32>} : memref<272xf32, #tpu.memory_space<vmem>>, vector<16xf32>,
    %get3A_320 = arith.constant 95 : index
    %get3A_321 = tpu.vector_load %arg10[%get3A_320] {strides = array<i32>} : memref<272xf32, #tpu.memory_space<vmem>>, vector<16xf32>,
    %sub3A_322 = arith.subf %get3A_319, %get3A_321 : vector<16xf32>
    %swap3A_323 = arith.constant 80 : index
    %swap3A_324 = tpu.vector_load %arg8[%swap3A_323] {strides = array<i32>} : memref<256xf32, #tpu.memory_space<vmem>>, vector<16xf32>,
    tpu.vector_store %arg8[%swap3A_323], %sub3A_322 {strides = array<i32>} : memref<256xf32, #tpu.memory_space<vmem>>, vector<16xf32>,
    %get3A_325 = arith.constant 112 : index
    %get3A_326 = tpu.vector_load %arg10[%get3A_325] {strides = array<i32>} : memref<272xf32, #tpu.memory_space<vmem>>, vector<16xf32>,
    %get3A_327 = arith.constant 111 : index
    %get3A_328 = tpu.vector_load %arg10[%get3A_327] {strides = array<i32>} : memref<272xf32, #tpu.memory_space<vmem>>, vector<16xf32>,
    %sub3A_329 = arith.subf %get3A_326, %get3A_328 : vector<16xf32>
    %swap3A_330 = arith.constant 96 : index
    %swap3A_331 = tpu.vector_load %arg8[%swap3A_330] {strides = array<i32>} : memref<256xf32, #tpu.memory_space<vmem>>, vector<16xf32>,
    tpu.vector_store %arg8[%swap3A_330], %sub3A_329 {strides = array<i32>} : memref<256xf32, #tpu.memory_space<vmem>>, vector<16xf32>,
    %get3A_332 = arith.constant 128 : index
    %get3A_333 = tpu.vector_load %arg10[%get3A_332] {strides = array<i32>} : memref<272xf32, #tpu.memory_space<vmem>>, vector<16xf32>,
    %get3A_334 = arith.constant 127 : index
    %get3A_335 = tpu.vector_load %arg10[%get3A_334] {strides = array<i32>} : memref<272xf32, #tpu.memory_space<vmem>>, vector<16xf32>,
    %sub3A_336 = arith.subf %get3A_333, %get3A_335 : vector<16xf32>
    %swap3A_337 = arith.constant 112 : index
    %swap3A_338 = tpu.vector_load %arg8[%swap3A_337] {strides = array<i32>} : memref<256xf32, #tpu.memory_space<vmem>>, vector<16xf32>,
    tpu.vector_store %arg8[%swap3A_337], %sub3A_336 {strides = array<i32>} : memref<256xf32, #tpu.memory_space<vmem>>, vector<16xf32>,
    %get3A_339 = arith.constant 144 : index
    %get3A_340 = tpu.vector_load %arg10[%get3A_339] {strides = array<i32>} : memref<272xf32, #tpu.memory_space<vmem>>, vector<16xf32>,
    %get3A_341 = arith.constant 143 : index
    %get3A_342 = tpu.vector_load %arg10[%get3A_341] {strides = array<i32>} : memref<272xf32, #tpu.memory_space<vmem>>, vector<16xf32>,
    %sub3A_343 = arith.subf %get3A_340, %get3A_342 : vector<16xf32>
    %swap3A_344 = arith.constant 128 : index
    %swap3A_345 = tpu.vector_load %arg8[%swap3A_344] {strides = array<i32>} : memref<256xf32, #tpu.memory_space<vmem>>, vector<16xf32>,
    tpu.vector_store %arg8[%swap3A_344], %sub3A_343 {strides = array<i32>} : memref<256xf32, #tpu.memory_space<vmem>>, vector<16xf32>,
    %get3A_346 = arith.constant 160 : index
    %get3A_347 = tpu.vector_load %arg10[%get3A_346] {strides = array<i32>} : memref<272xf32, #tpu.memory_space<vmem>>, vector<16xf32>,
    %get3A_348 = arith.constant 159 : index
    %get3A_349 = tpu.vector_load %arg10[%get3A_348] {strides = array<i32>} : memref<272xf32, #tpu.memory_space<vmem>>, vector<16xf32>,
    %sub3A_350 = arith.subf %get3A_347, %get3A_349 : vector<16xf32>
    %swap3A_351 = arith.constant 144 : index
    %swap3A_352 = tpu.vector_load %arg8[%swap3A_351] {strides = array<i32>} : memref<256xf32, #tpu.memory_space<vmem>>, vector<16xf32>,
    tpu.vector_store %arg8[%swap3A_351], %sub3A_350 {strides = array<i32>} : memref<256xf32, #tpu.memory_space<vmem>>, vector<16xf32>,
    %get3A_353 = arith.constant 176 : index
    %get3A_354 = tpu.vector_load %arg10[%get3A_353] {strides = array<i32>} : memref<272xf32, #tpu.memory_space<vmem>>, vector<16xf32>,
    %get3A_355 = arith.constant 175 : index
    %get3A_356 = tpu.vector_load %arg10[%get3A_355] {strides = array<i32>} : memref<272xf32, #tpu.memory_space<vmem>>, vector<16xf32>,
    %sub3A_357 = arith.subf %get3A_354, %get3A_356 : vector<16xf32>
    %swap3A_358 = arith.constant 160 : index
    %swap3A_359 = tpu.vector_load %arg8[%swap3A_358] {strides = array<i32>} : memref<256xf32, #tpu.memory_space<vmem>>, vector<16xf32>,
    tpu.vector_store %arg8[%swap3A_358], %sub3A_357 {strides = array<i32>} : memref<256xf32, #tpu.memory_space<vmem>>, vector<16xf32>,
    %get3A_360 = arith.constant 192 : index
    %get3A_361 = tpu.vector_load %arg10[%get3A_360] {strides = array<i32>} : memref<272xf32, #tpu.memory_space<vmem>>, vector<16xf32>,
    %get3A_362 = arith.constant 191 : index
    %get3A_363 = tpu.vector_load %arg10[%get3A_362] {strides = array<i32>} : memref<272xf32, #tpu.memory_space<vmem>>, vector<16xf32>,
    %sub3A_364 = arith.subf %get3A_361, %get3A_363 : vector<16xf32>
    %swap3A_365 = arith.constant 176 : index
    %swap3A_366 = tpu.vector_load %arg8[%swap3A_365] {strides = array<i32>} : memref<256xf32, #tpu.memory_space<vmem>>, vector<16xf32>,
    tpu.vector_store %arg8[%swap3A_365], %sub3A_364 {strides = array<i32>} : memref<256xf32, #tpu.memory_space<vmem>>, vector<16xf32>,
    %get3A_367 = arith.constant 208 : index
    %get3A_368 = tpu.vector_load %arg10[%get3A_367] {strides = array<i32>} : memref<272xf32, #tpu.memory_space<vmem>>, vector<16xf32>,
    %get3A_369 = arith.constant 207 : index
    %get3A_370 = tpu.vector_load %arg10[%get3A_369] {strides = array<i32>} : memref<272xf32, #tpu.memory_space<vmem>>, vector<16xf32>,
    %sub3A_371 = arith.subf %get3A_368, %get3A_370 : vector<16xf32>
    %swap3A_372 = arith.constant 192 : index
    %swap3A_373 = tpu.vector_load %arg8[%swap3A_372] {strides = array<i32>} : memref<256xf32, #tpu.memory_space<vmem>>, vector<16xf32>,
    tpu.vector_store %arg8[%swap3A_372], %sub3A_371 {strides = array<i32>} : memref<256xf32, #tpu.memory_space<vmem>>, vector<16xf32>,
    %get3A_374 = arith.constant 224 : index
    %get3A_375 = tpu.vector_load %arg10[%get3A_374] {strides = array<i32>} : memref<272xf32, #tpu.memory_space<vmem>>, vector<16xf32>,
    %get3A_376 = arith.constant 223 : index
    %get3A_377 = tpu.vector_load %arg10[%get3A_376] {strides = array<i32>} : memref<272xf32, #tpu.memory_space<vmem>>, vector<16xf32>,
    %sub3A_378 = arith.subf %get3A_375, %get3A_377 : vector<16xf32>
    %swap3A_379 = arith.constant 208 : index
    %swap3A_380 = tpu.vector_load %arg8[%swap3A_379] {strides = array<i32>} : memref<256xf32, #tpu.memory_space<vmem>>, vector<16xf32>,
    tpu.vector_store %arg8[%swap3A_379], %sub3A_378 {strides = array<i32>} : memref<256xf32, #tpu.memory_space<vmem>>, vector<16xf32>,
    %get3A_381 = arith.constant 240 : index
    %get3A_382 = tpu.vector_load %arg10[%get3A_381] {strides = array<i32>} : memref<272xf32, #tpu.memory_space<vmem>>, vector<16xf32>,
    %get3A_383 = arith.constant 239 : index
    %get3A_384 = tpu.vector_load %arg10[%get3A_383] {strides = array<i32>} : memref<272xf32, #tpu.memory_space<vmem>>, vector<16xf32>,
    %sub3A_385 = arith.subf %get3A_382, %get3A_384 : vector<16xf32>
    %swap3A_386 = arith.constant 224 : index
    %swap3A_387 = tpu.vector_load %arg8[%swap3A_386] {strides = array<i32>} : memref<256xf32, #tpu.memory_space<vmem>>, vector<16xf32>,
    tpu.vector_store %arg8[%swap3A_386], %sub3A_385 {strides = array<i32>} : memref<256xf32, #tpu.memory_space<vmem>>, vector<16xf32>,
    %get3A_388 = arith.constant 256 : index
    %get3A_389 = tpu.vector_load %arg10[%get3A_388] {strides = array<i32>} : memref<272xf32, #tpu.memory_space<vmem>>, vector<16xf32>,
    %get3A_390 = arith.constant 255 : index
    %get3A_391 = tpu.vector_load %arg10[%get3A_390] {strides = array<i32>} : memref<272xf32, #tpu.memory_space<vmem>>, vector<16xf32>,
    %sub3A_392 = arith.subf %get3A_389, %get3A_391 : vector<16xf32>
    %swap3A_393 = arith.constant 240 : index
    %swap3A_394 = tpu.vector_load %arg8[%swap3A_393] {strides = array<i32>} : memref<256xf32, #tpu.memory_space<vmem>>, vector<16xf32>,
    tpu.vector_store %arg8[%swap3A_393], %sub3A_392 {strides = array<i32>} : memref<256xf32, #tpu.memory_space<vmem>>, vector<16xf32>,
    %swap3A_395 = arith.constant 0 : index
    %swap3A_396 = tpu.vector_load %arg10[%swap3A_395] {strides = array<i32>} : memref<272xf32, #tpu.memory_space<vmem>>, vector<16xf32>,
    tpu.vector_store %arg10[%swap3A_395], %broadcast_in_dim3A_6 {strides = array<i32>} : memref<272xf32, #tpu.memory_space<vmem>>, vector<16xf32>,
    %get3A_397 = arith.constant 0 : index
    %get3A_398 = tpu.vector_load %arg9[%get3A_397] {strides = array<i32>} : memref<256xf32, #tpu.memory_space<vmem>>, vector<16xf32>,
    %broadcast_in_dim3A_399 = arith.constant true
    %broadcast_in_dim3A_400 = vector.broadcast %broadcast_in_dim3A_399 : i1 to vector<16xi1>
    %masked_cummax3A_401 = tpu.scan <max>, %get3A_398 masked %broadcast_in_dim3A_400 : vector<16xf32>, vector<16xi1> -> vector<16xf32>
    %max3A_402 = arith.constant 0.000000e+00 : f32
    %max3A_403 = vector.broadcast %max3A_402 : f32 to vector<16xf32>
    %max3A_404 = arith.maximumf %masked_cummax3A_401, %max3A_403 : vector<16xf32>
    %swap3A_405 = arith.constant 16 : index
    %swap3A_406 = tpu.vector_load %arg10[%swap3A_405] {strides = array<i32>} : memref<272xf32, #tpu.memory_space<vmem>>, vector<16xf32>,
    tpu.vector_store %arg10[%swap3A_405], %max3A_404 {strides = array<i32>} : memref<272xf32, #tpu.memory_space<vmem>>, vector<16xf32>,
    %reduce_max3A_407 = arith.constant true
    %reduce_max3A_408 = vector.broadcast %reduce_max3A_407 : i1 to vector<16xi1>
    %reduce_max3A_409 = tpu.scan <max>, %max3A_404 masked %reduce_max3A_408 : vector<16xf32>, vector<16xi1> -> vector<16xf32>
    %reduce_max3A_410 = vector.extract %reduce_max3A_409[15] : f32 from vector<16xf32>
    %get3A_411 = arith.constant 16 : index
    %get3A_412 = tpu.vector_load %arg9[%get3A_411] {strides = array<i32>} : memref<256xf32, #tpu.memory_space<vmem>>, vector<16xf32>,
    %broadcast_in_dim3A_413 = arith.constant true
    %broadcast_in_dim3A_414 = vector.broadcast %broadcast_in_dim3A_413 : i1 to vector<16xi1>
    %masked_cummax3A_415 = tpu.scan <max>, %get3A_412 masked %broadcast_in_dim3A_414 : vector<16xf32>, vector<16xi1> -> vector<16xf32>
    %max3A_416 = vector.broadcast %reduce_max3A_410 : f32 to vector<16xf32>
    %max3A_417 = arith.maximumf %masked_cummax3A_415, %max3A_416 : vector<16xf32>
    %swap3A_418 = arith.constant 32 : index
    %swap3A_419 = tpu.vector_load %arg10[%swap3A_418] {strides = array<i32>} : memref<272xf32, #tpu.memory_space<vmem>>, vector<16xf32>,
    tpu.vector_store %arg10[%swap3A_418], %max3A_417 {strides = array<i32>} : memref<272xf32, #tpu.memory_space<vmem>>, vector<16xf32>,
    %reduce_max3A_420 = arith.constant true
    %reduce_max3A_421 = vector.broadcast %reduce_max3A_420 : i1 to vector<16xi1>
    %reduce_max3A_422 = tpu.scan <max>, %max3A_417 masked %reduce_max3A_421 : vector<16xf32>, vector<16xi1> -> vector<16xf32>
    %reduce_max3A_423 = vector.extract %reduce_max3A_422[15] : f32 from vector<16xf32>
    %get3A_424 = arith.constant 32 : index
    %get3A_425 = tpu.vector_load %arg9[%get3A_424] {strides = array<i32>} : memref<256xf32, #tpu.memory_space<vmem>>, vector<16xf32>,
    %broadcast_in_dim3A_426 = arith.constant true
    %broadcast_in_dim3A_427 = vector.broadcast %broadcast_in_dim3A_426 : i1 to vector<16xi1>
    %masked_cummax3A_428 = tpu.scan <max>, %get3A_425 masked %broadcast_in_dim3A_427 : vector<16xf32>, vector<16xi1> -> vector<16xf32>
    %max3A_429 = vector.broadcast %reduce_max3A_423 : f32 to vector<16xf32>
    %max3A_430 = arith.maximumf %masked_cummax3A_428, %max3A_429 : vector<16xf32>
    %swap3A_431 = arith.constant 48 : index
    %swap3A_432 = tpu.vector_load %arg10[%swap3A_431] {strides = array<i32>} : memref<272xf32, #tpu.memory_space<vmem>>, vector<16xf32>,
    tpu.vector_store %arg10[%swap3A_431], %max3A_430 {strides = array<i32>} : memref<272xf32, #tpu.memory_space<vmem>>, vector<16xf32>,
    %reduce_max3A_433 = arith.constant true
    %reduce_max3A_434 = vector.broadcast %reduce_max3A_433 : i1 to vector<16xi1>
    %reduce_max3A_435 = tpu.scan <max>, %max3A_430 masked %reduce_max3A_434 : vector<16xf32>, vector<16xi1> -> vector<16xf32>
    %reduce_max3A_436 = vector.extract %reduce_max3A_435[15] : f32 from vector<16xf32>
    %get3A_437 = arith.constant 48 : index
    %get3A_438 = tpu.vector_load %arg9[%get3A_437] {strides = array<i32>} : memref<256xf32, #tpu.memory_space<vmem>>, vector<16xf32>,
    %broadcast_in_dim3A_439 = arith.constant true
    %broadcast_in_dim3A_440 = vector.broadcast %broadcast_in_dim3A_439 : i1 to vector<16xi1>
    %masked_cummax3A_441 = tpu.scan <max>, %get3A_438 masked %broadcast_in_dim3A_440 : vector<16xf32>, vector<16xi1> -> vector<16xf32>
    %max3A_442 = vector.broadcast %reduce_max3A_436 : f32 to vector<16xf32>
    %max3A_443 = arith.maximumf %masked_cummax3A_441, %max3A_442 : vector<16xf32>
    %swap3A_444 = arith.constant 64 : index
    %swap3A_445 = tpu.vector_load %arg10[%swap3A_444] {strides = array<i32>} : memref<272xf32, #tpu.memory_space<vmem>>, vector<16xf32>,
    tpu.vector_store %arg10[%swap3A_444], %max3A_443 {strides = array<i32>} : memref<272xf32, #tpu.memory_space<vmem>>, vector<16xf32>,
    %reduce_max3A_446 = arith.constant true
    %reduce_max3A_447 = vector.broadcast %reduce_max3A_446 : i1 to vector<16xi1>
    %reduce_max3A_448 = tpu.scan <max>, %max3A_443 masked %reduce_max3A_447 : vector<16xf32>, vector<16xi1> -> vector<16xf32>
    %reduce_max3A_449 = vector.extract %reduce_max3A_448[15] : f32 from vector<16xf32>
    %get3A_450 = arith.constant 64 : index
    %get3A_451 = tpu.vector_load %arg9[%get3A_450] {strides = array<i32>} : memref<256xf32, #tpu.memory_space<vmem>>, vector<16xf32>,
    %broadcast_in_dim3A_452 = arith.constant true
    %broadcast_in_dim3A_453 = vector.broadcast %broadcast_in_dim3A_452 : i1 to vector<16xi1>
    %masked_cummax3A_454 = tpu.scan <max>, %get3A_451 masked %broadcast_in_dim3A_453 : vector<16xf32>, vector<16xi1> -> vector<16xf32>
    %max3A_455 = vector.broadcast %reduce_max3A_449 : f32 to vector<16xf32>
    %max3A_456 = arith.maximumf %masked_cummax3A_454, %max3A_455 : vector<16xf32>
    %swap3A_457 = arith.constant 80 : index
    %swap3A_458 = tpu.vector_load %arg10[%swap3A_457] {strides = array<i32>} : memref<272xf32, #tpu.memory_space<vmem>>, vector<16xf32>,
    tpu.vector_store %arg10[%swap3A_457], %max3A_456 {strides = array<i32>} : memref<272xf32, #tpu.memory_space<vmem>>, vector<16xf32>,
    %reduce_max3A_459 = arith.constant true
    %reduce_max3A_460 = vector.broadcast %reduce_max3A_459 : i1 to vector<16xi1>
    %reduce_max3A_461 = tpu.scan <max>, %max3A_456 masked %reduce_max3A_460 : vector<16xf32>, vector<16xi1> -> vector<16xf32>
    %reduce_max3A_462 = vector.extract %reduce_max3A_461[15] : f32 from vector<16xf32>
    %get3A_463 = arith.constant 80 : index
    %get3A_464 = tpu.vector_load %arg9[%get3A_463] {strides = array<i32>} : memref<256xf32, #tpu.memory_space<vmem>>, vector<16xf32>,
    %broadcast_in_dim3A_465 = arith.constant true
    %broadcast_in_dim3A_466 = vector.broadcast %broadcast_in_dim3A_465 : i1 to vector<16xi1>
    %masked_cummax3A_467 = tpu.scan <max>, %get3A_464 masked %broadcast_in_dim3A_466 : vector<16xf32>, vector<16xi1> -> vector<16xf32>
    %max3A_468 = vector.broadcast %reduce_max3A_462 : f32 to vector<16xf32>
    %max3A_469 = arith.maximumf %masked_cummax3A_467, %max3A_468 : vector<16xf32>
    %swap3A_470 = arith.constant 96 : index
    %swap3A_471 = tpu.vector_load %arg10[%swap3A_470] {strides = array<i32>} : memref<272xf32, #tpu.memory_space<vmem>>, vector<16xf32>,
    tpu.vector_store %arg10[%swap3A_470], %max3A_469 {strides = array<i32>} : memref<272xf32, #tpu.memory_space<vmem>>, vector<16xf32>,
    %reduce_max3A_472 = arith.constant true
    %reduce_max3A_473 = vector.broadcast %reduce_max3A_472 : i1 to vector<16xi1>
    %reduce_max3A_474 = tpu.scan <max>, %max3A_469 masked %reduce_max3A_473 : vector<16xf32>, vector<16xi1> -> vector<16xf32>
    %reduce_max3A_475 = vector.extract %reduce_max3A_474[15] : f32 from vector<16xf32>
    %get3A_476 = arith.constant 96 : index
    %get3A_477 = tpu.vector_load %arg9[%get3A_476] {strides = array<i32>} : memref<256xf32, #tpu.memory_space<vmem>>, vector<16xf32>,
    %broadcast_in_dim3A_478 = arith.constant true
    %broadcast_in_dim3A_479 = vector.broadcast %broadcast_in_dim3A_478 : i1 to vector<16xi1>
    %masked_cummax3A_480 = tpu.scan <max>, %get3A_477 masked %broadcast_in_dim3A_479 : vector<16xf32>, vector<16xi1> -> vector<16xf32>
    %max3A_481 = vector.broadcast %reduce_max3A_475 : f32 to vector<16xf32>
    %max3A_482 = arith.maximumf %masked_cummax3A_480, %max3A_481 : vector<16xf32>
    %swap3A_483 = arith.constant 112 : index
    %swap3A_484 = tpu.vector_load %arg10[%swap3A_483] {strides = array<i32>} : memref<272xf32, #tpu.memory_space<vmem>>, vector<16xf32>,
    tpu.vector_store %arg10[%swap3A_483], %max3A_482 {strides = array<i32>} : memref<272xf32, #tpu.memory_space<vmem>>, vector<16xf32>,
    %reduce_max3A_485 = arith.constant true
    %reduce_max3A_486 = vector.broadcast %reduce_max3A_485 : i1 to vector<16xi1>
    %reduce_max3A_487 = tpu.scan <max>, %max3A_482 masked %reduce_max3A_486 : vector<16xf32>, vector<16xi1> -> vector<16xf32>
    %reduce_max3A_488 = vector.extract %reduce_max3A_487[15] : f32 from vector<16xf32>
    %get3A_489 = arith.constant 112 : index
    %get3A_490 = tpu.vector_load %arg9[%get3A_489] {strides = array<i32>} : memref<256xf32, #tpu.memory_space<vmem>>, vector<16xf32>,
    %broadcast_in_dim3A_491 = arith.constant true
    %broadcast_in_dim3A_492 = vector.broadcast %broadcast_in_dim3A_491 : i1 to vector<16xi1>
    %masked_cummax3A_493 = tpu.scan <max>, %get3A_490 masked %broadcast_in_dim3A_492 : vector<16xf32>, vector<16xi1> -> vector<16xf32>
    %max3A_494 = vector.broadcast %reduce_max3A_488 : f32 to vector<16xf32>
    %max3A_495 = arith.maximumf %masked_cummax3A_493, %max3A_494 : vector<16xf32>
    %swap3A_496 = arith.constant 128 : index
    %swap3A_497 = tpu.vector_load %arg10[%swap3A_496] {strides = array<i32>} : memref<272xf32, #tpu.memory_space<vmem>>, vector<16xf32>,
    tpu.vector_store %arg10[%swap3A_496], %max3A_495 {strides = array<i32>} : memref<272xf32, #tpu.memory_space<vmem>>, vector<16xf32>,
    %reduce_max3A_498 = arith.constant true
    %reduce_max3A_499 = vector.broadcast %reduce_max3A_498 : i1 to vector<16xi1>
    %reduce_max3A_500 = tpu.scan <max>, %max3A_495 masked %reduce_max3A_499 : vector<16xf32>, vector<16xi1> -> vector<16xf32>
    %reduce_max3A_501 = vector.extract %reduce_max3A_500[15] : f32 from vector<16xf32>
    %get3A_502 = arith.constant 128 : index
    %get3A_503 = tpu.vector_load %arg9[%get3A_502] {strides = array<i32>} : memref<256xf32, #tpu.memory_space<vmem>>, vector<16xf32>,
    %broadcast_in_dim3A_504 = arith.constant true
    %broadcast_in_dim3A_505 = vector.broadcast %broadcast_in_dim3A_504 : i1 to vector<16xi1>
    %masked_cummax3A_506 = tpu.scan <max>, %get3A_503 masked %broadcast_in_dim3A_505 : vector<16xf32>, vector<16xi1> -> vector<16xf32>
    %max3A_507 = vector.broadcast %reduce_max3A_501 : f32 to vector<16xf32>
    %max3A_508 = arith.maximumf %masked_cummax3A_506, %max3A_507 : vector<16xf32>
    %swap3A_509 = arith.constant 144 : index
    %swap3A_510 = tpu.vector_load %arg10[%swap3A_509] {strides = array<i32>} : memref<272xf32, #tpu.memory_space<vmem>>, vector<16xf32>,
    tpu.vector_store %arg10[%swap3A_509], %max3A_508 {strides = array<i32>} : memref<272xf32, #tpu.memory_space<vmem>>, vector<16xf32>,
    %reduce_max3A_511 = arith.constant true
    %reduce_max3A_512 = vector.broadcast %reduce_max3A_511 : i1 to vector<16xi1>
    %reduce_max3A_513 = tpu.scan <max>, %max3A_508 masked %reduce_max3A_512 : vector<16xf32>, vector<16xi1> -> vector<16xf32>
    %reduce_max3A_514 = vector.extract %reduce_max3A_513[15] : f32 from vector<16xf32>
    %get3A_515 = arith.constant 144 : index
    %get3A_516 = tpu.vector_load %arg9[%get3A_515] {strides = array<i32>} : memref<256xf32, #tpu.memory_space<vmem>>, vector<16xf32>,
    %broadcast_in_dim3A_517 = arith.constant true
    %broadcast_in_dim3A_518 = vector.broadcast %broadcast_in_dim3A_517 : i1 to vector<16xi1>
    %masked_cummax3A_519 = tpu.scan <max>, %get3A_516 masked %broadcast_in_dim3A_518 : vector<16xf32>, vector<16xi1> -> vector<16xf32>
    %max3A_520 = vector.broadcast %reduce_max3A_514 : f32 to vector<16xf32>
    %max3A_521 = arith.maximumf %masked_cummax3A_519, %max3A_520 : vector<16xf32>
    %swap3A_522 = arith.constant 160 : index
    %swap3A_523 = tpu.vector_load %arg10[%swap3A_522] {strides = array<i32>} : memref<272xf32, #tpu.memory_space<vmem>>, vector<16xf32>,
    tpu.vector_store %arg10[%swap3A_522], %max3A_521 {strides = array<i32>} : memref<272xf32, #tpu.memory_space<vmem>>, vector<16xf32>,
    %reduce_max3A_524 = arith.constant true
    %reduce_max3A_525 = vector.broadcast %reduce_max3A_524 : i1 to vector<16xi1>
    %reduce_max3A_526 = tpu.scan <max>, %max3A_521 masked %reduce_max3A_525 : vector<16xf32>, vector<16xi1> -> vector<16xf32>
    %reduce_max3A_527 = vector.extract %reduce_max3A_526[15] : f32 from vector<16xf32>
    %get3A_528 = arith.constant 160 : index
    %get3A_529 = tpu.vector_load %arg9[%get3A_528] {strides = array<i32>} : memref<256xf32, #tpu.memory_space<vmem>>, vector<16xf32>,
    %broadcast_in_dim3A_530 = arith.constant true
    %broadcast_in_dim3A_531 = vector.broadcast %broadcast_in_dim3A_530 : i1 to vector<16xi1>
    %masked_cummax3A_532 = tpu.scan <max>, %get3A_529 masked %broadcast_in_dim3A_531 : vector<16xf32>, vector<16xi1> -> vector<16xf32>
    %max3A_533 = vector.broadcast %reduce_max3A_527 : f32 to vector<16xf32>
    %max3A_534 = arith.maximumf %masked_cummax3A_532, %max3A_533 : vector<16xf32>
    %swap3A_535 = arith.constant 176 : index
    %swap3A_536 = tpu.vector_load %arg10[%swap3A_535] {strides = array<i32>} : memref<272xf32, #tpu.memory_space<vmem>>, vector<16xf32>,
    tpu.vector_store %arg10[%swap3A_535], %max3A_534 {strides = array<i32>} : memref<272xf32, #tpu.memory_space<vmem>>, vector<16xf32>,
    %reduce_max3A_537 = arith.constant true
    %reduce_max3A_538 = vector.broadcast %reduce_max3A_537 : i1 to vector<16xi1>
    %reduce_max3A_539 = tpu.scan <max>, %max3A_534 masked %reduce_max3A_538 : vector<16xf32>, vector<16xi1> -> vector<16xf32>
    %reduce_max3A_540 = vector.extract %reduce_max3A_539[15] : f32 from vector<16xf32>
    %get3A_541 = arith.constant 176 : index
    %get3A_542 = tpu.vector_load %arg9[%get3A_541] {strides = array<i32>} : memref<256xf32, #tpu.memory_space<vmem>>, vector<16xf32>,
    %broadcast_in_dim3A_543 = arith.constant true
    %broadcast_in_dim3A_544 = vector.broadcast %broadcast_in_dim3A_543 : i1 to vector<16xi1>
    %masked_cummax3A_545 = tpu.scan <max>, %get3A_542 masked %broadcast_in_dim3A_544 : vector<16xf32>, vector<16xi1> -> vector<16xf32>
    %max3A_546 = vector.broadcast %reduce_max3A_540 : f32 to vector<16xf32>
    %max3A_547 = arith.maximumf %masked_cummax3A_545, %max3A_546 : vector<16xf32>
    %swap3A_548 = arith.constant 192 : index
    %swap3A_549 = tpu.vector_load %arg10[%swap3A_548] {strides = array<i32>} : memref<272xf32, #tpu.memory_space<vmem>>, vector<16xf32>,
    tpu.vector_store %arg10[%swap3A_548], %max3A_547 {strides = array<i32>} : memref<272xf32, #tpu.memory_space<vmem>>, vector<16xf32>,
    %reduce_max3A_550 = arith.constant true
    %reduce_max3A_551 = vector.broadcast %reduce_max3A_550 : i1 to vector<16xi1>
    %reduce_max3A_552 = tpu.scan <max>, %max3A_547 masked %reduce_max3A_551 : vector<16xf32>, vector<16xi1> -> vector<16xf32>
    %reduce_max3A_553 = vector.extract %reduce_max3A_552[15] : f32 from vector<16xf32>
    %get3A_554 = arith.constant 192 : index
    %get3A_555 = tpu.vector_load %arg9[%get3A_554] {strides = array<i32>} : memref<256xf32, #tpu.memory_space<vmem>>, vector<16xf32>,
    %broadcast_in_dim3A_556 = arith.constant true
    %broadcast_in_dim3A_557 = vector.broadcast %broadcast_in_dim3A_556 : i1 to vector<16xi1>
    %masked_cummax3A_558 = tpu.scan <max>, %get3A_555 masked %broadcast_in_dim3A_557 : vector<16xf32>, vector<16xi1> -> vector<16xf32>
    %max3A_559 = vector.broadcast %reduce_max3A_553 : f32 to vector<16xf32>
    %max3A_560 = arith.maximumf %masked_cummax3A_558, %max3A_559 : vector<16xf32>
    %swap3A_561 = arith.constant 208 : index
    %swap3A_562 = tpu.vector_load %arg10[%swap3A_561] {strides = array<i32>} : memref<272xf32, #tpu.memory_space<vmem>>, vector<16xf32>,
    tpu.vector_store %arg10[%swap3A_561], %max3A_560 {strides = array<i32>} : memref<272xf32, #tpu.memory_space<vmem>>, vector<16xf32>,
    %reduce_max3A_563 = arith.constant true
    %reduce_max3A_564 = vector.broadcast %reduce_max3A_563 : i1 to vector<16xi1>
    %reduce_max3A_565 = tpu.scan <max>, %max3A_560 masked %reduce_max3A_564 : vector<16xf32>, vector<16xi1> -> vector<16xf32>
    %reduce_max3A_566 = vector.extract %reduce_max3A_565[15] : f32 from vector<16xf32>
    %get3A_567 = arith.constant 208 : index
    %get3A_568 = tpu.vector_load %arg9[%get3A_567] {strides = array<i32>} : memref<256xf32, #tpu.memory_space<vmem>>, vector<16xf32>,
    %broadcast_in_dim3A_569 = arith.constant true
    %broadcast_in_dim3A_570 = vector.broadcast %broadcast_in_dim3A_569 : i1 to vector<16xi1>
    %masked_cummax3A_571 = tpu.scan <max>, %get3A_568 masked %broadcast_in_dim3A_570 : vector<16xf32>, vector<16xi1> -> vector<16xf32>
    %max3A_572 = vector.broadcast %reduce_max3A_566 : f32 to vector<16xf32>
    %max3A_573 = arith.maximumf %masked_cummax3A_571, %max3A_572 : vector<16xf32>
    %swap3A_574 = arith.constant 224 : index
    %swap3A_575 = tpu.vector_load %arg10[%swap3A_574] {strides = array<i32>} : memref<272xf32, #tpu.memory_space<vmem>>, vector<16xf32>,
    tpu.vector_store %arg10[%swap3A_574], %max3A_573 {strides = array<i32>} : memref<272xf32, #tpu.memory_space<vmem>>, vector<16xf32>,
    %reduce_max3A_576 = arith.constant true
    %reduce_max3A_577 = vector.broadcast %reduce_max3A_576 : i1 to vector<16xi1>
    %reduce_max3A_578 = tpu.scan <max>, %max3A_573 masked %reduce_max3A_577 : vector<16xf32>, vector<16xi1> -> vector<16xf32>
    %reduce_max3A_579 = vector.extract %reduce_max3A_578[15] : f32 from vector<16xf32>
    %get3A_580 = arith.constant 224 : index
    %get3A_581 = tpu.vector_load %arg9[%get3A_580] {strides = array<i32>} : memref<256xf32, #tpu.memory_space<vmem>>, vector<16xf32>,
    %broadcast_in_dim3A_582 = arith.constant true
    %broadcast_in_dim3A_583 = vector.broadcast %broadcast_in_dim3A_582 : i1 to vector<16xi1>
    %masked_cummax3A_584 = tpu.scan <max>, %get3A_581 masked %broadcast_in_dim3A_583 : vector<16xf32>, vector<16xi1> -> vector<16xf32>
    %max3A_585 = vector.broadcast %reduce_max3A_579 : f32 to vector<16xf32>
    %max3A_586 = arith.maximumf %masked_cummax3A_584, %max3A_585 : vector<16xf32>
    %swap3A_587 = arith.constant 240 : index
    %swap3A_588 = tpu.vector_load %arg10[%swap3A_587] {strides = array<i32>} : memref<272xf32, #tpu.memory_space<vmem>>, vector<16xf32>,
    tpu.vector_store %arg10[%swap3A_587], %max3A_586 {strides = array<i32>} : memref<272xf32, #tpu.memory_space<vmem>>, vector<16xf32>,
    %reduce_max3A_589 = arith.constant true
    %reduce_max3A_590 = vector.broadcast %reduce_max3A_589 : i1 to vector<16xi1>
    %reduce_max3A_591 = tpu.scan <max>, %max3A_586 masked %reduce_max3A_590 : vector<16xf32>, vector<16xi1> -> vector<16xf32>
    %reduce_max3A_592 = vector.extract %reduce_max3A_591[15] : f32 from vector<16xf32>
    %get3A_593 = arith.constant 240 : index
    %get3A_594 = tpu.vector_load %arg9[%get3A_593] {strides = array<i32>} : memref<256xf32, #tpu.memory_space<vmem>>, vector<16xf32>,
    %broadcast_in_dim3A_595 = arith.constant true
    %broadcast_in_dim3A_596 = vector.broadcast %broadcast_in_dim3A_595 : i1 to vector<16xi1>
    %masked_cummax3A_597 = tpu.scan <max>, %get3A_594 masked %broadcast_in_dim3A_596 : vector<16xf32>, vector<16xi1> -> vector<16xf32>
    %max3A_598 = vector.broadcast %reduce_max3A_592 : f32 to vector<16xf32>
    %max3A_599 = arith.maximumf %masked_cummax3A_597, %max3A_598 : vector<16xf32>
    %swap3A_600 = arith.constant 256 : index
    %swap3A_601 = tpu.vector_load %arg10[%swap3A_600] {strides = array<i32>} : memref<272xf32, #tpu.memory_space<vmem>>, vector<16xf32>,
    tpu.vector_store %arg10[%swap3A_600], %max3A_599 {strides = array<i32>} : memref<272xf32, #tpu.memory_space<vmem>>, vector<16xf32>,
    %reduce_max3A_602 = arith.constant true
    %reduce_max3A_603 = vector.broadcast %reduce_max3A_602 : i1 to vector<16xi1>
    %reduce_max3A_604 = tpu.scan <max>, %max3A_599 masked %reduce_max3A_603 : vector<16xf32>, vector<16xi1> -> vector<16xf32>
    %reduce_max3A_605 = vector.extract %reduce_max3A_604[15] : f32 from vector<16xf32>
    %get3A_606 = arith.constant 16 : index
    %get3A_607 = tpu.vector_load %arg10[%get3A_606] {strides = array<i32>} : memref<272xf32, #tpu.memory_space<vmem>>, vector<16xf32>,
    %get3A_608 = arith.constant 15 : index
    %get3A_609 = tpu.vector_load %arg10[%get3A_608] {strides = array<i32>} : memref<272xf32, #tpu.memory_space<vmem>>, vector<16xf32>,
    %sub3A_610 = arith.subf %get3A_607, %get3A_609 : vector<16xf32>
    %swap3A_611 = arith.constant 0 : index
    %swap3A_612 = tpu.vector_load %arg9[%swap3A_611] {strides = array<i32>} : memref<256xf32, #tpu.memory_space<vmem>>, vector<16xf32>,
    tpu.vector_store %arg9[%swap3A_611], %sub3A_610 {strides = array<i32>} : memref<256xf32, #tpu.memory_space<vmem>>, vector<16xf32>,
    %get3A_613 = arith.constant 32 : index
    %get3A_614 = tpu.vector_load %arg10[%get3A_613] {strides = array<i32>} : memref<272xf32, #tpu.memory_space<vmem>>, vector<16xf32>,
    %get3A_615 = arith.constant 31 : index
    %get3A_616 = tpu.vector_load %arg10[%get3A_615] {strides = array<i32>} : memref<272xf32, #tpu.memory_space<vmem>>, vector<16xf32>,
    %sub3A_617 = arith.subf %get3A_614, %get3A_616 : vector<16xf32>
    %swap3A_618 = arith.constant 16 : index
    %swap3A_619 = tpu.vector_load %arg9[%swap3A_618] {strides = array<i32>} : memref<256xf32, #tpu.memory_space<vmem>>, vector<16xf32>,
    tpu.vector_store %arg9[%swap3A_618], %sub3A_617 {strides = array<i32>} : memref<256xf32, #tpu.memory_space<vmem>>, vector<16xf32>,
    %get3A_620 = arith.constant 48 : index
    %get3A_621 = tpu.vector_load %arg10[%get3A_620] {strides = array<i32>} : memref<272xf32, #tpu.memory_space<vmem>>, vector<16xf32>,
    %get3A_622 = arith.constant 47 : index
    %get3A_623 = tpu.vector_load %arg10[%get3A_622] {strides = array<i32>} : memref<272xf32, #tpu.memory_space<vmem>>, vector<16xf32>,
    %sub3A_624 = arith.subf %get3A_621, %get3A_623 : vector<16xf32>
    %swap3A_625 = arith.constant 32 : index
    %swap3A_626 = tpu.vector_load %arg9[%swap3A_625] {strides = array<i32>} : memref<256xf32, #tpu.memory_space<vmem>>, vector<16xf32>,
    tpu.vector_store %arg9[%swap3A_625], %sub3A_624 {strides = array<i32>} : memref<256xf32, #tpu.memory_space<vmem>>, vector<16xf32>,
    %get3A_627 = arith.constant 64 : index
    %get3A_628 = tpu.vector_load %arg10[%get3A_627] {strides = array<i32>} : memref<272xf32, #tpu.memory_space<vmem>>, vector<16xf32>,
    %get3A_629 = arith.constant 63 : index
    %get3A_630 = tpu.vector_load %arg10[%get3A_629] {strides = array<i32>} : memref<272xf32, #tpu.memory_space<vmem>>, vector<16xf32>,
    %sub3A_631 = arith.subf %get3A_628, %get3A_630 : vector<16xf32>
    %swap3A_632 = arith.constant 48 : index
    %swap3A_633 = tpu.vector_load %arg9[%swap3A_632] {strides = array<i32>} : memref<256xf32, #tpu.memory_space<vmem>>, vector<16xf32>,
    tpu.vector_store %arg9[%swap3A_632], %sub3A_631 {strides = array<i32>} : memref<256xf32, #tpu.memory_space<vmem>>, vector<16xf32>,
    %get3A_634 = arith.constant 80 : index
    %get3A_635 = tpu.vector_load %arg10[%get3A_634] {strides = array<i32>} : memref<272xf32, #tpu.memory_space<vmem>>, vector<16xf32>,
    %get3A_636 = arith.constant 79 : index
    %get3A_637 = tpu.vector_load %arg10[%get3A_636] {strides = array<i32>} : memref<272xf32, #tpu.memory_space<vmem>>, vector<16xf32>,
    %sub3A_638 = arith.subf %get3A_635, %get3A_637 : vector<16xf32>
    %swap3A_639 = arith.constant 64 : index
    %swap3A_640 = tpu.vector_load %arg9[%swap3A_639] {strides = array<i32>} : memref<256xf32, #tpu.memory_space<vmem>>, vector<16xf32>,
    tpu.vector_store %arg9[%swap3A_639], %sub3A_638 {strides = array<i32>} : memref<256xf32, #tpu.memory_space<vmem>>, vector<16xf32>,
    %get3A_641 = arith.constant 96 : index
    %get3A_642 = tpu.vector_load %arg10[%get3A_641] {strides = array<i32>} : memref<272xf32, #tpu.memory_space<vmem>>, vector<16xf32>,
    %get3A_643 = arith.constant 95 : index
    %get3A_644 = tpu.vector_load %arg10[%get3A_643] {strides = array<i32>} : memref<272xf32, #tpu.memory_space<vmem>>, vector<16xf32>,
    %sub3A_645 = arith.subf %get3A_642, %get3A_644 : vector<16xf32>
    %swap3A_646 = arith.constant 80 : index
    %swap3A_647 = tpu.vector_load %arg9[%swap3A_646] {strides = array<i32>} : memref<256xf32, #tpu.memory_space<vmem>>, vector<16xf32>,
    tpu.vector_store %arg9[%swap3A_646], %sub3A_645 {strides = array<i32>} : memref<256xf32, #tpu.memory_space<vmem>>, vector<16xf32>,
    %get3A_648 = arith.constant 112 : index
    %get3A_649 = tpu.vector_load %arg10[%get3A_648] {strides = array<i32>} : memref<272xf32, #tpu.memory_space<vmem>>, vector<16xf32>,
    %get3A_650 = arith.constant 111 : index
    %get3A_651 = tpu.vector_load %arg10[%get3A_650] {strides = array<i32>} : memref<272xf32, #tpu.memory_space<vmem>>, vector<16xf32>,
    %sub3A_652 = arith.subf %get3A_649, %get3A_651 : vector<16xf32>
    %swap3A_653 = arith.constant 96 : index
    %swap3A_654 = tpu.vector_load %arg9[%swap3A_653] {strides = array<i32>} : memref<256xf32, #tpu.memory_space<vmem>>, vector<16xf32>,
    tpu.vector_store %arg9[%swap3A_653], %sub3A_652 {strides = array<i32>} : memref<256xf32, #tpu.memory_space<vmem>>, vector<16xf32>,
    %get3A_655 = arith.constant 128 : index
    %get3A_656 = tpu.vector_load %arg10[%get3A_655] {strides = array<i32>} : memref<272xf32, #tpu.memory_space<vmem>>, vector<16xf32>,
    %get3A_657 = arith.constant 127 : index
    %get3A_658 = tpu.vector_load %arg10[%get3A_657] {strides = array<i32>} : memref<272xf32, #tpu.memory_space<vmem>>, vector<16xf32>,
    %sub3A_659 = arith.subf %get3A_656, %get3A_658 : vector<16xf32>
    %swap3A_660 = arith.constant 112 : index
    %swap3A_661 = tpu.vector_load %arg9[%swap3A_660] {strides = array<i32>} : memref<256xf32, #tpu.memory_space<vmem>>, vector<16xf32>,
    tpu.vector_store %arg9[%swap3A_660], %sub3A_659 {strides = array<i32>} : memref<256xf32, #tpu.memory_space<vmem>>, vector<16xf32>,
    %get3A_662 = arith.constant 144 : index
    %get3A_663 = tpu.vector_load %arg10[%get3A_662] {strides = array<i32>} : memref<272xf32, #tpu.memory_space<vmem>>, vector<16xf32>,
    %get3A_664 = arith.constant 143 : index
    %get3A_665 = tpu.vector_load %arg10[%get3A_664] {strides = array<i32>} : memref<272xf32, #tpu.memory_space<vmem>>, vector<16xf32>,
    %sub3A_666 = arith.subf %get3A_663, %get3A_665 : vector<16xf32>
    %swap3A_667 = arith.constant 128 : index
    %swap3A_668 = tpu.vector_load %arg9[%swap3A_667] {strides = array<i32>} : memref<256xf32, #tpu.memory_space<vmem>>, vector<16xf32>,
    tpu.vector_store %arg9[%swap3A_667], %sub3A_666 {strides = array<i32>} : memref<256xf32, #tpu.memory_space<vmem>>, vector<16xf32>,
    %get3A_669 = arith.constant 160 : index
    %get3A_670 = tpu.vector_load %arg10[%get3A_669] {strides = array<i32>} : memref<272xf32, #tpu.memory_space<vmem>>, vector<16xf32>,
    %get3A_671 = arith.constant 159 : index
    %get3A_672 = tpu.vector_load %arg10[%get3A_671] {strides = array<i32>} : memref<272xf32, #tpu.memory_space<vmem>>, vector<16xf32>,
    %sub3A_673 = arith.subf %get3A_670, %get3A_672 : vector<16xf32>
    %swap3A_674 = arith.constant 144 : index
    %swap3A_675 = tpu.vector_load %arg9[%swap3A_674] {strides = array<i32>} : memref<256xf32, #tpu.memory_space<vmem>>, vector<16xf32>,
    tpu.vector_store %arg9[%swap3A_674], %sub3A_673 {strides = array<i32>} : memref<256xf32, #tpu.memory_space<vmem>>, vector<16xf32>,
    %get3A_676 = arith.constant 176 : index
    %get3A_677 = tpu.vector_load %arg10[%get3A_676] {strides = array<i32>} : memref<272xf32, #tpu.memory_space<vmem>>, vector<16xf32>,
    %get3A_678 = arith.constant 175 : index
    %get3A_679 = tpu.vector_load %arg10[%get3A_678] {strides = array<i32>} : memref<272xf32, #tpu.memory_space<vmem>>, vector<16xf32>,
    %sub3A_680 = arith.subf %get3A_677, %get3A_679 : vector<16xf32>
    %swap3A_681 = arith.constant 160 : index
    %swap3A_682 = tpu.vector_load %arg9[%swap3A_681] {strides = array<i32>} : memref<256xf32, #tpu.memory_space<vmem>>, vector<16xf32>,
    tpu.vector_store %arg9[%swap3A_681], %sub3A_680 {strides = array<i32>} : memref<256xf32, #tpu.memory_space<vmem>>, vector<16xf32>,
    %get3A_683 = arith.constant 192 : index
    %get3A_684 = tpu.vector_load %arg10[%get3A_683] {strides = array<i32>} : memref<272xf32, #tpu.memory_space<vmem>>, vector<16xf32>,
    %get3A_685 = arith.constant 191 : index
    %get3A_686 = tpu.vector_load %arg10[%get3A_685] {strides = array<i32>} : memref<272xf32, #tpu.memory_space<vmem>>, vector<16xf32>,
    %sub3A_687 = arith.subf %get3A_684, %get3A_686 : vector<16xf32>
    %swap3A_688 = arith.constant 176 : index
    %swap3A_689 = tpu.vector_load %arg9[%swap3A_688] {strides = array<i32>} : memref<256xf32, #tpu.memory_space<vmem>>, vector<16xf32>,
    tpu.vector_store %arg9[%swap3A_688], %sub3A_687 {strides = array<i32>} : memref<256xf32, #tpu.memory_space<vmem>>, vector<16xf32>,
    %get3A_690 = arith.constant 208 : index
    %get3A_691 = tpu.vector_load %arg10[%get3A_690] {strides = array<i32>} : memref<272xf32, #tpu.memory_space<vmem>>, vector<16xf32>,
    %get3A_692 = arith.constant 207 : index
    %get3A_693 = tpu.vector_load %arg10[%get3A_692] {strides = array<i32>} : memref<272xf32, #tpu.memory_space<vmem>>, vector<16xf32>,
    %sub3A_694 = arith.subf %get3A_691, %get3A_693 : vector<16xf32>
    %swap3A_695 = arith.constant 192 : index
    %swap3A_696 = tpu.vector_load %arg9[%swap3A_695] {strides = array<i32>} : memref<256xf32, #tpu.memory_space<vmem>>, vector<16xf32>,
    tpu.vector_store %arg9[%swap3A_695], %sub3A_694 {strides = array<i32>} : memref<256xf32, #tpu.memory_space<vmem>>, vector<16xf32>,
    %get3A_697 = arith.constant 224 : index
    %get3A_698 = tpu.vector_load %arg10[%get3A_697] {strides = array<i32>} : memref<272xf32, #tpu.memory_space<vmem>>, vector<16xf32>,
    %get3A_699 = arith.constant 223 : index
    %get3A_700 = tpu.vector_load %arg10[%get3A_699] {strides = array<i32>} : memref<272xf32, #tpu.memory_space<vmem>>, vector<16xf32>,
    %sub3A_701 = arith.subf %get3A_698, %get3A_700 : vector<16xf32>
    %swap3A_702 = arith.constant 208 : index
    %swap3A_703 = tpu.vector_load %arg9[%swap3A_702] {strides = array<i32>} : memref<256xf32, #tpu.memory_space<vmem>>, vector<16xf32>,
    tpu.vector_store %arg9[%swap3A_702], %sub3A_701 {strides = array<i32>} : memref<256xf32, #tpu.memory_space<vmem>>, vector<16xf32>,
    %get3A_704 = arith.constant 240 : index
    %get3A_705 = tpu.vector_load %arg10[%get3A_704] {strides = array<i32>} : memref<272xf32, #tpu.memory_space<vmem>>, vector<16xf32>,
    %get3A_706 = arith.constant 239 : index
    %get3A_707 = tpu.vector_load %arg10[%get3A_706] {strides = array<i32>} : memref<272xf32, #tpu.memory_space<vmem>>, vector<16xf32>,
    %sub3A_708 = arith.subf %get3A_705, %get3A_707 : vector<16xf32>
    %swap3A_709 = arith.constant 224 : index
    %swap3A_710 = tpu.vector_load %arg9[%swap3A_709] {strides = array<i32>} : memref<256xf32, #tpu.memory_space<vmem>>, vector<16xf32>,
    tpu.vector_store %arg9[%swap3A_709], %sub3A_708 {strides = array<i32>} : memref<256xf32, #tpu.memory_space<vmem>>, vector<16xf32>,
    %get3A_711 = arith.constant 256 : index
    %get3A_712 = tpu.vector_load %arg10[%get3A_711] {strides = array<i32>} : memref<272xf32, #tpu.memory_space<vmem>>, vector<16xf32>,
    %get3A_713 = arith.constant 255 : index
    %get3A_714 = tpu.vector_load %arg10[%get3A_713] {strides = array<i32>} : memref<272xf32, #tpu.memory_space<vmem>>, vector<16xf32>,
    %sub3A_715 = arith.subf %get3A_712, %get3A_714 : vector<16xf32>
    %swap3A_716 = arith.constant 240 : index
    %swap3A_717 = tpu.vector_load %arg9[%swap3A_716] {strides = array<i32>} : memref<256xf32, #tpu.memory_space<vmem>>, vector<16xf32>,
    tpu.vector_store %arg9[%swap3A_716], %sub3A_715 {strides = array<i32>} : memref<256xf32, #tpu.memory_space<vmem>>, vector<16xf32>,
    %mul3A_718 = arith.constant 256 : i32
    %mul3A_719 = arith.muli %add3A, %mul3A_718 : i32
    "tpu.region"() ({
      %run_scoped3A = tpu.sem_alloc : memref<!tpu.dma_semaphore, #tpu.memory_space<semaphore_mem>>
      %dma_start3A = tpu.memref_slice %arg4[%mul3A_719] : memref<8192xf32, #tpu.memory_space<hbm>> -> memref<256xf32, #tpu.memory_space<hbm>>
      %dma_start3A_722 = tpu.memref_slice %arg4[%mul3A_719] : memref<8192xf32, #tpu.memory_space<hbm>> -> memref<256xf32, #tpu.memory_space<hbm>>
      tpu.enqueue_dma source(%arg8 : memref<256xf32, #tpu.memory_space<vmem>>) target(%dma_start3A_722 : memref<256xf32, #tpu.memory_space<hbm>>) target_semaphore(%run_scoped3A : memref<!tpu.dma_semaphore, #tpu.memory_space<semaphore_mem>>)
      %dma_wait3A = tpu.memref_slice %arg4[%mul3A_719] : memref<8192xf32, #tpu.memory_space<hbm>> -> memref<256xf32, #tpu.memory_space<hbm>>
      %dma_wait3A_723 = tpu.memref_slice %arg4[%mul3A_719] : memref<8192xf32, #tpu.memory_space<hbm>> -> memref<256xf32, #tpu.memory_space<hbm>>
      tpu.wait_dma2 semaphore(%run_scoped3A : memref<!tpu.dma_semaphore, #tpu.memory_space<semaphore_mem>>) src(%arg8 : memref<256xf32, #tpu.memory_space<vmem>>) dst(%dma_wait3A_723 : memref<256xf32, #tpu.memory_space<hbm>>)
      tpu.yield
    }) : () -> ()
    %mul3A_720 = arith.constant 256 : i32
    %mul3A_721 = arith.muli %add3A, %mul3A_720 : i32
    "tpu.region"() ({
      %run_scoped3A = tpu.sem_alloc : memref<!tpu.dma_semaphore, #tpu.memory_space<semaphore_mem>>
      %dma_start3A = tpu.memref_slice %arg5[%mul3A_721] : memref<8192xf32, #tpu.memory_space<hbm>> -> memref<256xf32, #tpu.memory_space<hbm>>
      %dma_start3A_722 = tpu.memref_slice %arg5[%mul3A_721] : memref<8192xf32, #tpu.memory_space<hbm>> -> memref<256xf32, #tpu.memory_space<hbm>>
      tpu.enqueue_dma source(%arg9 : memref<256xf32, #tpu.memory_space<vmem>>) target(%dma_start3A_722 : memref<256xf32, #tpu.memory_space<hbm>>) target_semaphore(%run_scoped3A : memref<!tpu.dma_semaphore, #tpu.memory_space<semaphore_mem>>)
      %dma_wait3A = tpu.memref_slice %arg5[%mul3A_721] : memref<8192xf32, #tpu.memory_space<hbm>> -> memref<256xf32, #tpu.memory_space<hbm>>
      %dma_wait3A_723 = tpu.memref_slice %arg5[%mul3A_721] : memref<8192xf32, #tpu.memory_space<hbm>> -> memref<256xf32, #tpu.memory_space<hbm>>
      tpu.wait_dma2 semaphore(%run_scoped3A : memref<!tpu.dma_semaphore, #tpu.memory_space<semaphore_mem>>) src(%arg9 : memref<256xf32, #tpu.memory_space<vmem>>) dst(%dma_wait3A_723 : memref<256xf32, #tpu.memory_space<hbm>>)
      tpu.yield
    }) : () -> ()
    return
  }
}

module attributes {stable_mosaic.version = 14 : i64} {
  func.func @_main_body(%arg0: i32, %arg1: memref<6400x128xf32, #tpu.memory_space<vmem>>, %arg2: memref<128x128xf32, #tpu.memory_space<vmem>>, %arg3: memref<1x50x128xf32, #tpu.memory_space<vmem>>) attributes {dimension_semantics = [#tpu.dimension_semantics<arbitrary>], iteration_bounds = array<i64: 50>, scalar_prefetch = 0 : i64, scratch_operands = 0 : i64, tpu.core_type = #tpu.core_type<tc>, window_params = [{transform_indices = @transform_0, window_bounds = array<i64: 6400, 128>}, {pipeline_mode = #tpu.pipeline_mode<synchronous>, transform_indices = @transform_1, window_bounds = array<i64: 128, 128>}, {transform_indices = @transform_2, window_bounds = array<i64: 1, 50, 128>}]} {
    %get3A = arith.constant 0 : index
    %get3A_0 = arith.constant 0 : index
    %get3A_1 = vector.load %arg1[%get3A, %get3A_0] : memref<6400x128xf32, #tpu.memory_space<vmem>>, vector<6400x128xf32>
    %dot_general3A = arith.constant dense<0.000000e+00> : vector<128x128xf32>
    %dot_general3A_2 = tpu.matmul %get3A_1, %get3A_1, %dot_general3A {dimension_numbers = #tpu.dot_dimension_numbers<[0], [0], [1], [1], [0, 1, 1, 1], [], []>, transpose_lhs_hint = false} : vector<6400x128xf32>, vector<6400x128xf32>, vector<128x128xf32> -> vector<128x128xf32>
    %reshape3A = vector.shape_cast %get3A_1 : vector<6400x128xf32> to vector<50x128x128xf32>
    %mul3A = arith.mulf %reshape3A, %reshape3A : vector<50x128x128xf32>
    %reduce_sum3A = arith.constant dense<0.000000e+00> : vector<50x128xf32>
    %reduce_sum3A_3 = vector.multi_reduction <add>, %mul3A, %reduce_sum3A [2] : vector<50x128x128xf32> to vector<50x128xf32>
    %sqrt3A = math.sqrt %reduce_sum3A_3 : vector<50x128xf32>
    %broadcast_in_dim3A = vector.shape_cast %sqrt3A : vector<50x128xf32> to vector<1x50x128xf32>
    %swap3A = arith.constant 0 : index
    %swap3A_4 = arith.constant 0 : index
    %swap3A_5 = arith.constant 0 : index
    %swap3A_6 = vector.load %arg3[%swap3A, %swap3A_4, %swap3A_5] : memref<1x50x128xf32, #tpu.memory_space<vmem>>, vector<1x50x128xf32>
    tpu.vector_store %arg3[%swap3A, %swap3A_4, %swap3A_5], %broadcast_in_dim3A {strides = array<i32>} : memref<1x50x128xf32, #tpu.memory_space<vmem>>, vector<1x50x128xf32>,
    %eq3A = arith.constant 0 : i32
    %eq3A_7 = arith.cmpi eq, %arg0, %eq3A : i32
    %convert_element_type3A = arith.extui %eq3A_7 : i1 to i32
    %cond3A = arith.constant 0 : i32
    %cond3A_8 = arith.cmpi ne, %convert_element_type3A, %cond3A : i32
    scf.if %cond3A_8 {
      %swap3A_13 = arith.constant 0 : index
      %swap3A_14 = arith.constant 0 : index
      %swap3A_15 = vector.load %arg2[%swap3A_13, %swap3A_14] : memref<128x128xf32, #tpu.memory_space<vmem>>, vector<128x128xf32>
      tpu.vector_store %arg2[%swap3A_13, %swap3A_14], %dot_general3A_2 {strides = array<i32>} : memref<128x128xf32, #tpu.memory_space<vmem>>, vector<128x128xf32>,
    } else {
    }
    %gt3A = arith.constant 0 : i32
    %gt3A_9 = arith.cmpi sgt, %arg0, %gt3A : i32
    %convert_element_type3A_10 = arith.extui %gt3A_9 : i1 to i32
    %cond3A_11 = arith.constant 0 : i32
    %cond3A_12 = arith.cmpi ne, %convert_element_type3A_10, %cond3A_11 : i32
    scf.if %cond3A_12 {
      %get3A_13 = arith.constant 0 : index
      %get3A_14 = arith.constant 0 : index
      %get3A_15 = vector.load %arg2[%get3A_13, %get3A_14] : memref<128x128xf32, #tpu.memory_space<vmem>>, vector<128x128xf32>
      %add3A = arith.addf %get3A_15, %dot_general3A_2 : vector<128x128xf32>
      %swap3A_16 = arith.constant 0 : index
      %swap3A_17 = arith.constant 0 : index
      %swap3A_18 = vector.load %arg2[%swap3A_16, %swap3A_17] : memref<128x128xf32, #tpu.memory_space<vmem>>, vector<128x128xf32>
      tpu.vector_store %arg2[%swap3A_16, %swap3A_17], %add3A {strides = array<i32>} : memref<128x128xf32, #tpu.memory_space<vmem>>, vector<128x128xf32>,
    } else {
    }
    return
  }
  func.func @transform_0(%arg0: i32) -> (i32, i32) {
    %c0_i32 = arith.constant 0 : i32
    %c0_i32_0 = arith.constant 0 : i32
    return %arg0, %c0_i32 : i32, i32
  }
  func.func @transform_1(%arg0: i32) -> (i32, i32) {
    %c0_i32 = arith.constant 0 : i32
    %c0_i32_0 = arith.constant 0 : i32
    %c0_i32_1 = arith.constant 0 : i32
    return %c0_i32, %c0_i32_0 : i32, i32
  }
  func.func @transform_2(%arg0: i32) -> (i32, i32, i32) {
    %c0_i32 = arith.constant 0 : i32
    %c0_i32_0 = arith.constant 0 : i32
    %c0_i32_1 = arith.constant 0 : i32
    return %arg0, %c0_i32, %c0_i32_0 : i32, i32, i32
  }
}

module attributes {stable_mosaic.version = 14 : i64} {
  func.func @_epilogue_body(%arg0: memref<128x128xf32, #tpu.memory_space<vmem>>, %arg1: memref<32x256xf32, #tpu.memory_space<vmem>>, %arg2: memref<32x256xf32, #tpu.memory_space<vmem>>, %arg3: memref<1x1xf32, #tpu.memory_space<smem>>, %arg4: memref<1x1xf32, #tpu.memory_space<smem>>) attributes {dimension_semantics = [], scalar_prefetch = 0 : i64, scratch_operands = 0 : i64, tpu.core_type = #tpu.core_type<tc>} {
    %get3A = arith.constant 0 : index
    %get3A_0 = arith.constant 0 : index
    %get3A_1 = vector.load %arg0[%get3A, %get3A_0] : memref<128x128xf32, #tpu.memory_space<vmem>>, vector<128x128xf32>
    %iota3A = tpu.iota {dimensions = array<i32: 0>} : vector<128x128xi32>
    %iota3A_2 = tpu.iota {dimensions = array<i32: 1>} : vector<128x128xi32>
    %eq3A = arith.cmpi eq, %iota3A, %iota3A_2 : vector<128x128xi32>
    %jit3A = arith.constant 0.000000e+00 : f32
    %broadcast_in_dim3A = vector.broadcast %jit3A : f32 to vector<128x128xf32>
    %select_n3A = arith.select %eq3A, %get3A_1, %broadcast_in_dim3A : vector<128x128xi1>, vector<128x128xf32>
    %reduce_sum3A = vector.shape_cast %select_n3A : vector<128x128xf32> to vector<1x128x128xf32>
    %reduce_sum3A_3 = arith.constant dense<0.000000e+00> : vector<1xf32>
    %reduce_sum3A_4 = vector.multi_reduction <add>, %reduce_sum3A, %reduce_sum3A_3 [1, 2] : vector<1x128x128xf32> to vector<1xf32>
    %reduce_sum3A_5 = vector.shape_cast %reduce_sum3A_4 : vector<1xf32> to vector<1x1x1xf32>
    %reduce_sum3A_6 = vector.extract %reduce_sum3A_5[0, 0, 0] : f32 from vector<1x1x1xf32>
    %abs3A = math.absf %get3A_1 : vector<128x128xf32>
    %reduce_max3A = vector.shape_cast %abs3A : vector<128x128xf32> to vector<1x128x128xf32>
    %reduce_max3A_7 = arith.constant dense<0xFF800000> : vector<1xf32>
    %reduce_max3A_8 = vector.multi_reduction <maximumf>, %reduce_max3A, %reduce_max3A_7 [1, 2] : vector<1x128x128xf32> to vector<1xf32>
    %reduce_max3A_9 = vector.shape_cast %reduce_max3A_8 : vector<1xf32> to vector<1x1x1xf32>
    %reduce_max3A_10 = vector.extract %reduce_max3A_9[0, 0, 0] : f32 from vector<1x1x1xf32>
    %max3A = arith.constant 1.000000e-30 : f32
    %max3A_11 = arith.maximumf %reduce_max3A_10, %max3A : f32
    %div3A = vector.broadcast %max3A_11 : f32 to vector<128x128xf32>
    %div3A_12 = arith.divf %get3A_1, %div3A : vector<128x128xf32>
    %dot_general3A = arith.constant dense<0.000000e+00> : vector<128x128xf32>
    %dot_general3A_13 = tpu.matmul %div3A_12, %div3A_12, %dot_general3A {dimension_numbers = #tpu.dot_dimension_numbers<[1], [0], [0], [1], [0, 0, 1, 1], [], []>, transpose_lhs_hint = false} : vector<128x128xf32>, vector<128x128xf32>, vector<128x128xf32> -> vector<128x128xf32>
    %abs3A_14 = math.absf %dot_general3A_13 : vector<128x128xf32>
    %reduce_max3A_15 = vector.shape_cast %abs3A_14 : vector<128x128xf32> to vector<1x128x128xf32>
    %reduce_max3A_16 = arith.constant dense<0xFF800000> : vector<1xf32>
    %reduce_max3A_17 = vector.multi_reduction <maximumf>, %reduce_max3A_15, %reduce_max3A_16 [1, 2] : vector<1x128x128xf32> to vector<1xf32>
    %reduce_max3A_18 = vector.shape_cast %reduce_max3A_17 : vector<1xf32> to vector<1x1x1xf32>
    %reduce_max3A_19 = vector.extract %reduce_max3A_18[0, 0, 0] : f32 from vector<1x1x1xf32>
    %max3A_20 = arith.constant 1.000000e-30 : f32
    %max3A_21 = arith.maximumf %reduce_max3A_19, %max3A_20 : f32
    %div3A_22 = vector.broadcast %max3A_21 : f32 to vector<128x128xf32>
    %div3A_23 = arith.divf %dot_general3A_13, %div3A_22 : vector<128x128xf32>
    %dot_general3A_24 = arith.constant dense<0.000000e+00> : vector<128x128xf32>
    %dot_general3A_25 = tpu.matmul %div3A_23, %div3A_23, %dot_general3A_24 {dimension_numbers = #tpu.dot_dimension_numbers<[1], [0], [0], [1], [0, 0, 1, 1], [], []>, transpose_lhs_hint = false} : vector<128x128xf32>, vector<128x128xf32>, vector<128x128xf32> -> vector<128x128xf32>
    %abs3A_26 = math.absf %dot_general3A_25 : vector<128x128xf32>
    %reduce_max3A_27 = vector.shape_cast %abs3A_26 : vector<128x128xf32> to vector<1x128x128xf32>
    %reduce_max3A_28 = arith.constant dense<0xFF800000> : vector<1xf32>
    %reduce_max3A_29 = vector.multi_reduction <maximumf>, %reduce_max3A_27, %reduce_max3A_28 [1, 2] : vector<1x128x128xf32> to vector<1xf32>
    %reduce_max3A_30 = vector.shape_cast %reduce_max3A_29 : vector<1xf32> to vector<1x1x1xf32>
    %reduce_max3A_31 = vector.extract %reduce_max3A_30[0, 0, 0] : f32 from vector<1x1x1xf32>
    %max3A_32 = arith.constant 1.000000e-30 : f32
    %max3A_33 = arith.maximumf %reduce_max3A_31, %max3A_32 : f32
    %div3A_34 = vector.broadcast %max3A_33 : f32 to vector<128x128xf32>
    %div3A_35 = arith.divf %dot_general3A_25, %div3A_34 : vector<128x128xf32>
    %dot_general3A_36 = arith.constant dense<0.000000e+00> : vector<128x128xf32>
    %dot_general3A_37 = tpu.matmul %div3A_35, %div3A_35, %dot_general3A_36 {dimension_numbers = #tpu.dot_dimension_numbers<[1], [0], [0], [1], [0, 0, 1, 1], [], []>, transpose_lhs_hint = false} : vector<128x128xf32>, vector<128x128xf32>, vector<128x128xf32> -> vector<128x128xf32>
    %abs3A_38 = math.absf %dot_general3A_37 : vector<128x128xf32>
    %reduce_max3A_39 = vector.shape_cast %abs3A_38 : vector<128x128xf32> to vector<1x128x128xf32>
    %reduce_max3A_40 = arith.constant dense<0xFF800000> : vector<1xf32>
    %reduce_max3A_41 = vector.multi_reduction <maximumf>, %reduce_max3A_39, %reduce_max3A_40 [1, 2] : vector<1x128x128xf32> to vector<1xf32>
    %reduce_max3A_42 = vector.shape_cast %reduce_max3A_41 : vector<1xf32> to vector<1x1x1xf32>
    %reduce_max3A_43 = vector.extract %reduce_max3A_42[0, 0, 0] : f32 from vector<1x1x1xf32>
    %max3A_44 = arith.constant 1.000000e-30 : f32
    %max3A_45 = arith.maximumf %reduce_max3A_43, %max3A_44 : f32
    %div3A_46 = vector.broadcast %max3A_45 : f32 to vector<128x128xf32>
    %div3A_47 = arith.divf %dot_general3A_37, %div3A_46 : vector<128x128xf32>
    %dot_general3A_48 = arith.constant dense<0.000000e+00> : vector<128x128xf32>
    %dot_general3A_49 = tpu.matmul %div3A_47, %div3A_47, %dot_general3A_48 {dimension_numbers = #tpu.dot_dimension_numbers<[1], [0], [0], [1], [0, 0, 1, 1], [], []>, transpose_lhs_hint = false} : vector<128x128xf32>, vector<128x128xf32>, vector<128x128xf32> -> vector<128x128xf32>
    %abs3A_50 = math.absf %dot_general3A_49 : vector<128x128xf32>
    %reduce_max3A_51 = vector.shape_cast %abs3A_50 : vector<128x128xf32> to vector<1x128x128xf32>
    %reduce_max3A_52 = arith.constant dense<0xFF800000> : vector<1xf32>
    %reduce_max3A_53 = vector.multi_reduction <maximumf>, %reduce_max3A_51, %reduce_max3A_52 [1, 2] : vector<1x128x128xf32> to vector<1xf32>
    %reduce_max3A_54 = vector.shape_cast %reduce_max3A_53 : vector<1xf32> to vector<1x1x1xf32>
    %reduce_max3A_55 = vector.extract %reduce_max3A_54[0, 0, 0] : f32 from vector<1x1x1xf32>
    %max3A_56 = arith.constant 1.000000e-30 : f32
    %max3A_57 = arith.maximumf %reduce_max3A_55, %max3A_56 : f32
    %div3A_58 = vector.broadcast %max3A_57 : f32 to vector<128x128xf32>
    %div3A_59 = arith.divf %dot_general3A_49, %div3A_58 : vector<128x128xf32>
    %dot_general3A_60 = arith.constant dense<0.000000e+00> : vector<128x128xf32>
    %dot_general3A_61 = tpu.matmul %div3A_59, %div3A_59, %dot_general3A_60 {dimension_numbers = #tpu.dot_dimension_numbers<[1], [0], [0], [1], [0, 0, 1, 1], [], []>, transpose_lhs_hint = false} : vector<128x128xf32>, vector<128x128xf32>, vector<128x128xf32> -> vector<128x128xf32>
    %abs3A_62 = math.absf %dot_general3A_61 : vector<128x128xf32>
    %reduce_max3A_63 = vector.shape_cast %abs3A_62 : vector<128x128xf32> to vector<1x128x128xf32>
    %reduce_max3A_64 = arith.constant dense<0xFF800000> : vector<1xf32>
    %reduce_max3A_65 = vector.multi_reduction <maximumf>, %reduce_max3A_63, %reduce_max3A_64 [1, 2] : vector<1x128x128xf32> to vector<1xf32>
    %reduce_max3A_66 = vector.shape_cast %reduce_max3A_65 : vector<1xf32> to vector<1x1x1xf32>
    %reduce_max3A_67 = vector.extract %reduce_max3A_66[0, 0, 0] : f32 from vector<1x1x1xf32>
    %max3A_68 = arith.constant 1.000000e-30 : f32
    %max3A_69 = arith.maximumf %reduce_max3A_67, %max3A_68 : f32
    %div3A_70 = vector.broadcast %max3A_69 : f32 to vector<128x128xf32>
    %div3A_71 = arith.divf %dot_general3A_61, %div3A_70 : vector<128x128xf32>
    %dot_general3A_72 = arith.constant dense<0.000000e+00> : vector<128x128xf32>
    %dot_general3A_73 = tpu.matmul %div3A_71, %div3A_71, %dot_general3A_72 {dimension_numbers = #tpu.dot_dimension_numbers<[1], [0], [0], [1], [0, 0, 1, 1], [], []>, transpose_lhs_hint = false} : vector<128x128xf32>, vector<128x128xf32>, vector<128x128xf32> -> vector<128x128xf32>
    %abs3A_74 = math.absf %dot_general3A_73 : vector<128x128xf32>
    %reduce_max3A_75 = vector.shape_cast %abs3A_74 : vector<128x128xf32> to vector<1x128x128xf32>
    %reduce_max3A_76 = arith.constant dense<0xFF800000> : vector<1xf32>
    %reduce_max3A_77 = vector.multi_reduction <maximumf>, %reduce_max3A_75, %reduce_max3A_76 [1, 2] : vector<1x128x128xf32> to vector<1xf32>
    %reduce_max3A_78 = vector.shape_cast %reduce_max3A_77 : vector<1xf32> to vector<1x1x1xf32>
    %reduce_max3A_79 = vector.extract %reduce_max3A_78[0, 0, 0] : f32 from vector<1x1x1xf32>
    %max3A_80 = arith.constant 1.000000e-30 : f32
    %max3A_81 = arith.maximumf %reduce_max3A_79, %max3A_80 : f32
    %div3A_82 = vector.broadcast %max3A_81 : f32 to vector<128x128xf32>
    %div3A_83 = arith.divf %dot_general3A_73, %div3A_82 : vector<128x128xf32>
    %dot_general3A_84 = arith.constant dense<0.000000e+00> : vector<128x128xf32>
    %dot_general3A_85 = tpu.matmul %div3A_83, %div3A_83, %dot_general3A_84 {dimension_numbers = #tpu.dot_dimension_numbers<[1], [0], [0], [1], [0, 0, 1, 1], [], []>, transpose_lhs_hint = false} : vector<128x128xf32>, vector<128x128xf32>, vector<128x128xf32> -> vector<128x128xf32>
    %abs3A_86 = math.absf %dot_general3A_85 : vector<128x128xf32>
    %reduce_max3A_87 = vector.shape_cast %abs3A_86 : vector<128x128xf32> to vector<1x128x128xf32>
    %reduce_max3A_88 = arith.constant dense<0xFF800000> : vector<1xf32>
    %reduce_max3A_89 = vector.multi_reduction <maximumf>, %reduce_max3A_87, %reduce_max3A_88 [1, 2] : vector<1x128x128xf32> to vector<1xf32>
    %reduce_max3A_90 = vector.shape_cast %reduce_max3A_89 : vector<1xf32> to vector<1x1x1xf32>
    %reduce_max3A_91 = vector.extract %reduce_max3A_90[0, 0, 0] : f32 from vector<1x1x1xf32>
    %max3A_92 = arith.constant 1.000000e-30 : f32
    %max3A_93 = arith.maximumf %reduce_max3A_91, %max3A_92 : f32
    %div3A_94 = vector.broadcast %max3A_93 : f32 to vector<128x128xf32>
    %div3A_95 = arith.divf %dot_general3A_85, %div3A_94 : vector<128x128xf32>
    %dot_general3A_96 = arith.constant dense<0.000000e+00> : vector<128x128xf32>
    %dot_general3A_97 = tpu.matmul %div3A_95, %div3A_95, %dot_general3A_96 {dimension_numbers = #tpu.dot_dimension_numbers<[1], [0], [0], [1], [0, 0, 1, 1], [], []>, transpose_lhs_hint = false} : vector<128x128xf32>, vector<128x128xf32>, vector<128x128xf32> -> vector<128x128xf32>
    %abs3A_98 = math.absf %dot_general3A_97 : vector<128x128xf32>
    %reduce_max3A_99 = vector.shape_cast %abs3A_98 : vector<128x128xf32> to vector<1x128x128xf32>
    %reduce_max3A_100 = arith.constant dense<0xFF800000> : vector<1xf32>
    %reduce_max3A_101 = vector.multi_reduction <maximumf>, %reduce_max3A_99, %reduce_max3A_100 [1, 2] : vector<1x128x128xf32> to vector<1xf32>
    %reduce_max3A_102 = vector.shape_cast %reduce_max3A_101 : vector<1xf32> to vector<1x1x1xf32>
    %reduce_max3A_103 = vector.extract %reduce_max3A_102[0, 0, 0] : f32 from vector<1x1x1xf32>
    %max3A_104 = arith.constant 1.000000e-30 : f32
    %max3A_105 = arith.maximumf %reduce_max3A_103, %max3A_104 : f32
    %div3A_106 = vector.broadcast %max3A_105 : f32 to vector<128x128xf32>
    %div3A_107 = arith.divf %dot_general3A_97, %div3A_106 : vector<128x128xf32>
    %dot_general3A_108 = arith.constant dense<0.000000e+00> : vector<128x128xf32>
    %dot_general3A_109 = tpu.matmul %div3A_107, %div3A_107, %dot_general3A_108 {dimension_numbers = #tpu.dot_dimension_numbers<[1], [0], [0], [1], [0, 0, 1, 1], [], []>, transpose_lhs_hint = false} : vector<128x128xf32>, vector<128x128xf32>, vector<128x128xf32> -> vector<128x128xf32>
    %abs3A_110 = math.absf %dot_general3A_109 : vector<128x128xf32>
    %reduce_max3A_111 = vector.shape_cast %abs3A_110 : vector<128x128xf32> to vector<1x128x128xf32>
    %reduce_max3A_112 = arith.constant dense<0xFF800000> : vector<1xf32>
    %reduce_max3A_113 = vector.multi_reduction <maximumf>, %reduce_max3A_111, %reduce_max3A_112 [1, 2] : vector<1x128x128xf32> to vector<1xf32>
    %reduce_max3A_114 = vector.shape_cast %reduce_max3A_113 : vector<1xf32> to vector<1x1x1xf32>
    %reduce_max3A_115 = vector.extract %reduce_max3A_114[0, 0, 0] : f32 from vector<1x1x1xf32>
    %max3A_116 = arith.constant 1.000000e-30 : f32
    %max3A_117 = arith.maximumf %reduce_max3A_115, %max3A_116 : f32
    %div3A_118 = vector.broadcast %max3A_117 : f32 to vector<128x128xf32>
    %div3A_119 = arith.divf %dot_general3A_109, %div3A_118 : vector<128x128xf32>
    %dot_general3A_120 = arith.constant dense<0.000000e+00> : vector<128x128xf32>
    %dot_general3A_121 = tpu.matmul %div3A_119, %div3A_119, %dot_general3A_120 {dimension_numbers = #tpu.dot_dimension_numbers<[1], [0], [0], [1], [0, 0, 1, 1], [], []>, transpose_lhs_hint = false} : vector<128x128xf32>, vector<128x128xf32>, vector<128x128xf32> -> vector<128x128xf32>
    %abs3A_122 = math.absf %dot_general3A_121 : vector<128x128xf32>
    %reduce_max3A_123 = vector.shape_cast %abs3A_122 : vector<128x128xf32> to vector<1x128x128xf32>
    %reduce_max3A_124 = arith.constant dense<0xFF800000> : vector<1xf32>
    %reduce_max3A_125 = vector.multi_reduction <maximumf>, %reduce_max3A_123, %reduce_max3A_124 [1, 2] : vector<1x128x128xf32> to vector<1xf32>
    %reduce_max3A_126 = vector.shape_cast %reduce_max3A_125 : vector<1xf32> to vector<1x1x1xf32>
    %reduce_max3A_127 = vector.extract %reduce_max3A_126[0, 0, 0] : f32 from vector<1x1x1xf32>
    %max3A_128 = arith.constant 1.000000e-30 : f32
    %max3A_129 = arith.maximumf %reduce_max3A_127, %max3A_128 : f32
    %div3A_130 = vector.broadcast %max3A_129 : f32 to vector<128x128xf32>
    %div3A_131 = arith.divf %dot_general3A_121, %div3A_130 : vector<128x128xf32>
    %dot_general3A_132 = arith.constant dense<0.000000e+00> : vector<128x128xf32>
    %dot_general3A_133 = tpu.matmul %div3A_131, %div3A_131, %dot_general3A_132 {dimension_numbers = #tpu.dot_dimension_numbers<[1], [0], [0], [1], [0, 0, 1, 1], [], []>, transpose_lhs_hint = false} : vector<128x128xf32>, vector<128x128xf32>, vector<128x128xf32> -> vector<128x128xf32>
    %abs3A_134 = math.absf %dot_general3A_133 : vector<128x128xf32>
    %reduce_max3A_135 = vector.shape_cast %abs3A_134 : vector<128x128xf32> to vector<1x128x128xf32>
    %reduce_max3A_136 = arith.constant dense<0xFF800000> : vector<1xf32>
    %reduce_max3A_137 = vector.multi_reduction <maximumf>, %reduce_max3A_135, %reduce_max3A_136 [1, 2] : vector<1x128x128xf32> to vector<1xf32>
    %reduce_max3A_138 = vector.shape_cast %reduce_max3A_137 : vector<1xf32> to vector<1x1x1xf32>
    %reduce_max3A_139 = vector.extract %reduce_max3A_138[0, 0, 0] : f32 from vector<1x1x1xf32>
    %max3A_140 = arith.constant 1.000000e-30 : f32
    %max3A_141 = arith.maximumf %reduce_max3A_139, %max3A_140 : f32
    %div3A_142 = vector.broadcast %max3A_141 : f32 to vector<128x128xf32>
    %div3A_143 = arith.divf %dot_general3A_133, %div3A_142 : vector<128x128xf32>
    %dot_general3A_144 = arith.constant dense<0.000000e+00> : vector<128x128xf32>
    %dot_general3A_145 = tpu.matmul %div3A_143, %div3A_143, %dot_general3A_144 {dimension_numbers = #tpu.dot_dimension_numbers<[1], [0], [0], [1], [0, 0, 1, 1], [], []>, transpose_lhs_hint = false} : vector<128x128xf32>, vector<128x128xf32>, vector<128x128xf32> -> vector<128x128xf32>
    %abs3A_146 = math.absf %dot_general3A_145 : vector<128x128xf32>
    %reduce_max3A_147 = vector.shape_cast %abs3A_146 : vector<128x128xf32> to vector<1x128x128xf32>
    %reduce_max3A_148 = arith.constant dense<0xFF800000> : vector<1xf32>
    %reduce_max3A_149 = vector.multi_reduction <maximumf>, %reduce_max3A_147, %reduce_max3A_148 [1, 2] : vector<1x128x128xf32> to vector<1xf32>
    %reduce_max3A_150 = vector.shape_cast %reduce_max3A_149 : vector<1xf32> to vector<1x1x1xf32>
    %reduce_max3A_151 = vector.extract %reduce_max3A_150[0, 0, 0] : f32 from vector<1x1x1xf32>
    %max3A_152 = arith.constant 1.000000e-30 : f32
    %max3A_153 = arith.maximumf %reduce_max3A_151, %max3A_152 : f32
    %div3A_154 = vector.broadcast %max3A_153 : f32 to vector<128x128xf32>
    %div3A_155 = arith.divf %dot_general3A_145, %div3A_154 : vector<128x128xf32>
    %dot_general3A_156 = arith.constant dense<0.000000e+00> : vector<128x128xf32>
    %dot_general3A_157 = tpu.matmul %div3A_155, %div3A_155, %dot_general3A_156 {dimension_numbers = #tpu.dot_dimension_numbers<[1], [0], [0], [1], [0, 0, 1, 1], [], []>, transpose_lhs_hint = false} : vector<128x128xf32>, vector<128x128xf32>, vector<128x128xf32> -> vector<128x128xf32>
    %abs3A_158 = math.absf %dot_general3A_157 : vector<128x128xf32>
    %reduce_max3A_159 = vector.shape_cast %abs3A_158 : vector<128x128xf32> to vector<1x128x128xf32>
    %reduce_max3A_160 = arith.constant dense<0xFF800000> : vector<1xf32>
    %reduce_max3A_161 = vector.multi_reduction <maximumf>, %reduce_max3A_159, %reduce_max3A_160 [1, 2] : vector<1x128x128xf32> to vector<1xf32>
    %reduce_max3A_162 = vector.shape_cast %reduce_max3A_161 : vector<1xf32> to vector<1x1x1xf32>
    %reduce_max3A_163 = vector.extract %reduce_max3A_162[0, 0, 0] : f32 from vector<1x1x1xf32>
    %max3A_164 = arith.constant 1.000000e-30 : f32
    %max3A_165 = arith.maximumf %reduce_max3A_163, %max3A_164 : f32
    %div3A_166 = vector.broadcast %max3A_165 : f32 to vector<128x128xf32>
    %div3A_167 = arith.divf %dot_general3A_157, %div3A_166 : vector<128x128xf32>
    %dot_general3A_168 = arith.constant dense<0.000000e+00> : vector<128x128xf32>
    %dot_general3A_169 = tpu.matmul %div3A_167, %div3A_167, %dot_general3A_168 {dimension_numbers = #tpu.dot_dimension_numbers<[1], [0], [0], [1], [0, 0, 1, 1], [], []>, transpose_lhs_hint = false} : vector<128x128xf32>, vector<128x128xf32>, vector<128x128xf32> -> vector<128x128xf32>
    %abs3A_170 = math.absf %dot_general3A_169 : vector<128x128xf32>
    %reduce_max3A_171 = vector.shape_cast %abs3A_170 : vector<128x128xf32> to vector<1x128x128xf32>
    %reduce_max3A_172 = arith.constant dense<0xFF800000> : vector<1xf32>
    %reduce_max3A_173 = vector.multi_reduction <maximumf>, %reduce_max3A_171, %reduce_max3A_172 [1, 2] : vector<1x128x128xf32> to vector<1xf32>
    %reduce_max3A_174 = vector.shape_cast %reduce_max3A_173 : vector<1xf32> to vector<1x1x1xf32>
    %reduce_max3A_175 = vector.extract %reduce_max3A_174[0, 0, 0] : f32 from vector<1x1x1xf32>
    %max3A_176 = arith.constant 1.000000e-30 : f32
    %max3A_177 = arith.maximumf %reduce_max3A_175, %max3A_176 : f32
    %div3A_178 = vector.broadcast %max3A_177 : f32 to vector<128x128xf32>
    %div3A_179 = arith.divf %dot_general3A_169, %div3A_178 : vector<128x128xf32>
    %dot_general3A_180 = arith.constant dense<0.000000e+00> : vector<128x128xf32>
    %dot_general3A_181 = tpu.matmul %div3A_179, %div3A_179, %dot_general3A_180 {dimension_numbers = #tpu.dot_dimension_numbers<[1], [0], [0], [1], [0, 0, 1, 1], [], []>, transpose_lhs_hint = false} : vector<128x128xf32>, vector<128x128xf32>, vector<128x128xf32> -> vector<128x128xf32>
    %abs3A_182 = math.absf %dot_general3A_181 : vector<128x128xf32>
    %reduce_max3A_183 = vector.shape_cast %abs3A_182 : vector<128x128xf32> to vector<1x128x128xf32>
    %reduce_max3A_184 = arith.constant dense<0xFF800000> : vector<1xf32>
    %reduce_max3A_185 = vector.multi_reduction <maximumf>, %reduce_max3A_183, %reduce_max3A_184 [1, 2] : vector<1x128x128xf32> to vector<1xf32>
    %reduce_max3A_186 = vector.shape_cast %reduce_max3A_185 : vector<1xf32> to vector<1x1x1xf32>
    %reduce_max3A_187 = vector.extract %reduce_max3A_186[0, 0, 0] : f32 from vector<1x1x1xf32>
    %max3A_188 = arith.constant 1.000000e-30 : f32
    %max3A_189 = arith.maximumf %reduce_max3A_187, %max3A_188 : f32
    %div3A_190 = vector.broadcast %max3A_189 : f32 to vector<128x128xf32>
    %div3A_191 = arith.divf %dot_general3A_181, %div3A_190 : vector<128x128xf32>
    %dot_general3A_192 = arith.constant dense<0.000000e+00> : vector<128x128xf32>
    %dot_general3A_193 = tpu.matmul %div3A_191, %div3A_191, %dot_general3A_192 {dimension_numbers = #tpu.dot_dimension_numbers<[1], [0], [0], [1], [0, 0, 1, 1], [], []>, transpose_lhs_hint = false} : vector<128x128xf32>, vector<128x128xf32>, vector<128x128xf32> -> vector<128x128xf32>
    %abs3A_194 = math.absf %dot_general3A_193 : vector<128x128xf32>
    %reduce_max3A_195 = vector.shape_cast %abs3A_194 : vector<128x128xf32> to vector<1x128x128xf32>
    %reduce_max3A_196 = arith.constant dense<0xFF800000> : vector<1xf32>
    %reduce_max3A_197 = vector.multi_reduction <maximumf>, %reduce_max3A_195, %reduce_max3A_196 [1, 2] : vector<1x128x128xf32> to vector<1xf32>
    %reduce_max3A_198 = vector.shape_cast %reduce_max3A_197 : vector<1xf32> to vector<1x1x1xf32>
    %reduce_max3A_199 = vector.extract %reduce_max3A_198[0, 0, 0] : f32 from vector<1x1x1xf32>
    %max3A_200 = arith.constant 1.000000e-30 : f32
    %max3A_201 = arith.maximumf %reduce_max3A_199, %max3A_200 : f32
    %div3A_202 = vector.broadcast %max3A_201 : f32 to vector<128x128xf32>
    %div3A_203 = arith.divf %dot_general3A_193, %div3A_202 : vector<128x128xf32>
    %dot_general3A_204 = arith.constant dense<0.000000e+00> : vector<128x128xf32>
    %dot_general3A_205 = tpu.matmul %div3A_203, %div3A_203, %dot_general3A_204 {dimension_numbers = #tpu.dot_dimension_numbers<[1], [0], [0], [1], [0, 0, 1, 1], [], []>, transpose_lhs_hint = false} : vector<128x128xf32>, vector<128x128xf32>, vector<128x128xf32> -> vector<128x128xf32>
    %abs3A_206 = math.absf %dot_general3A_205 : vector<128x128xf32>
    %reduce_max3A_207 = vector.shape_cast %abs3A_206 : vector<128x128xf32> to vector<1x128x128xf32>
    %reduce_max3A_208 = arith.constant dense<0xFF800000> : vector<1xf32>
    %reduce_max3A_209 = vector.multi_reduction <maximumf>, %reduce_max3A_207, %reduce_max3A_208 [1, 2] : vector<1x128x128xf32> to vector<1xf32>
    %reduce_max3A_210 = vector.shape_cast %reduce_max3A_209 : vector<1xf32> to vector<1x1x1xf32>
    %reduce_max3A_211 = vector.extract %reduce_max3A_210[0, 0, 0] : f32 from vector<1x1x1xf32>
    %max3A_212 = arith.constant 1.000000e-30 : f32
    %max3A_213 = arith.maximumf %reduce_max3A_211, %max3A_212 : f32
    %div3A_214 = vector.broadcast %max3A_213 : f32 to vector<128x128xf32>
    %div3A_215 = arith.divf %dot_general3A_205, %div3A_214 : vector<128x128xf32>
    %dot_general3A_216 = arith.constant dense<0.000000e+00> : vector<128x128xf32>
    %dot_general3A_217 = tpu.matmul %div3A_215, %div3A_215, %dot_general3A_216 {dimension_numbers = #tpu.dot_dimension_numbers<[1], [0], [0], [1], [0, 0, 1, 1], [], []>, transpose_lhs_hint = false} : vector<128x128xf32>, vector<128x128xf32>, vector<128x128xf32> -> vector<128x128xf32>
    %abs3A_218 = math.absf %dot_general3A_217 : vector<128x128xf32>
    %reduce_max3A_219 = vector.shape_cast %abs3A_218 : vector<128x128xf32> to vector<1x128x128xf32>
    %reduce_max3A_220 = arith.constant dense<0xFF800000> : vector<1xf32>
    %reduce_max3A_221 = vector.multi_reduction <maximumf>, %reduce_max3A_219, %reduce_max3A_220 [1, 2] : vector<1x128x128xf32> to vector<1xf32>
    %reduce_max3A_222 = vector.shape_cast %reduce_max3A_221 : vector<1xf32> to vector<1x1x1xf32>
    %reduce_max3A_223 = vector.extract %reduce_max3A_222[0, 0, 0] : f32 from vector<1x1x1xf32>
    %max3A_224 = arith.constant 1.000000e-30 : f32
    %max3A_225 = arith.maximumf %reduce_max3A_223, %max3A_224 : f32
    %div3A_226 = vector.broadcast %max3A_225 : f32 to vector<128x128xf32>
    %div3A_227 = arith.divf %dot_general3A_217, %div3A_226 : vector<128x128xf32>
    %dot_general3A_228 = arith.constant dense<0.000000e+00> : vector<128x128xf32>
    %dot_general3A_229 = tpu.matmul %div3A_227, %div3A_227, %dot_general3A_228 {dimension_numbers = #tpu.dot_dimension_numbers<[1], [0], [0], [1], [0, 0, 1, 1], [], []>, transpose_lhs_hint = false} : vector<128x128xf32>, vector<128x128xf32>, vector<128x128xf32> -> vector<128x128xf32>
    %abs3A_230 = math.absf %dot_general3A_229 : vector<128x128xf32>
    %reduce_max3A_231 = vector.shape_cast %abs3A_230 : vector<128x128xf32> to vector<1x128x128xf32>
    %reduce_max3A_232 = arith.constant dense<0xFF800000> : vector<1xf32>
    %reduce_max3A_233 = vector.multi_reduction <maximumf>, %reduce_max3A_231, %reduce_max3A_232 [1, 2] : vector<1x128x128xf32> to vector<1xf32>
    %reduce_max3A_234 = vector.shape_cast %reduce_max3A_233 : vector<1xf32> to vector<1x1x1xf32>
    %reduce_max3A_235 = vector.extract %reduce_max3A_234[0, 0, 0] : f32 from vector<1x1x1xf32>
    %max3A_236 = arith.constant 1.000000e-30 : f32
    %max3A_237 = arith.maximumf %reduce_max3A_235, %max3A_236 : f32
    %div3A_238 = vector.broadcast %max3A_237 : f32 to vector<128x128xf32>
    %div3A_239 = arith.divf %dot_general3A_229, %div3A_238 : vector<128x128xf32>
    %dot_general3A_240 = arith.constant dense<0.000000e+00> : vector<128x128xf32>
    %dot_general3A_241 = tpu.matmul %div3A_239, %div3A_239, %dot_general3A_240 {dimension_numbers = #tpu.dot_dimension_numbers<[1], [0], [0], [1], [0, 0, 1, 1], [], []>, transpose_lhs_hint = false} : vector<128x128xf32>, vector<128x128xf32>, vector<128x128xf32> -> vector<128x128xf32>
    %mul3A = arith.mulf %dot_general3A_241, %dot_general3A_241 : vector<128x128xf32>
    %reduce_sum3A_242 = arith.constant dense<0.000000e+00> : vector<128xf32>
    %reduce_sum3A_243 = vector.multi_reduction <add>, %mul3A, %reduce_sum3A_242 [0] : vector<128x128xf32> to vector<128xf32>
    %broadcast_in_dim3A_244 = vector.shape_cast %reduce_sum3A_243 : vector<128xf32> to vector<1x128xf32>
    %iota3A_245 = tpu.iota {dimensions = array<i32: 1>} : vector<1x128xi32>
    %reduce_max3A_246 = vector.shape_cast %broadcast_in_dim3A_244 : vector<1x128xf32> to vector<1x1x128xf32>
    %reduce_max3A_247 = arith.constant dense<0xFF800000> : vector<1xf32>
    %reduce_max3A_248 = vector.multi_reduction <maximumf>, %reduce_max3A_246, %reduce_max3A_247 [1, 2] : vector<1x1x128xf32> to vector<1xf32>
    %reduce_max3A_249 = vector.shape_cast %reduce_max3A_248 : vector<1xf32> to vector<1x1x1xf32>
    %reduce_max3A_250 = vector.extract %reduce_max3A_249[0, 0, 0] : f32 from vector<1x1x1xf32>
    %eq3A_251 = vector.broadcast %reduce_max3A_250 : f32 to vector<1x128xf32>
    %eq3A_252 = arith.cmpf oeq, %broadcast_in_dim3A_244, %eq3A_251 : vector<1x128xf32>
    %jit3A_253 = arith.constant 256 : i32
    %broadcast_in_dim3A_254 = vector.broadcast %jit3A_253 : i32 to vector<1x128xi32>
    %select_n3A_255 = arith.select %eq3A_252, %iota3A_245, %broadcast_in_dim3A_254 : vector<1x128xi1>, vector<1x128xi32>
    %reduce_min3A = vector.shape_cast %select_n3A_255 : vector<1x128xi32> to vector<1x1x128xi32>
    %reduce_min3A_256 = arith.constant dense<2147483647> : vector<1xi32>
    %reduce_min3A_257 = vector.multi_reduction <minsi>, %reduce_min3A, %reduce_min3A_256 [1, 2] : vector<1x1x128xi32> to vector<1xi32>
    %reduce_min3A_258 = vector.shape_cast %reduce_min3A_257 : vector<1xi32> to vector<1x1x1xi32>
    %reduce_min3A_259 = vector.extract %reduce_min3A_258[0, 0, 0] : i32 from vector<1x1x1xi32>
    %eq3A_260 = vector.broadcast %reduce_min3A_259 : i32 to vector<128x128xi32>
    %eq3A_261 = arith.cmpi eq, %iota3A_2, %eq3A_260 : vector<128x128xi32>
    %jit3A_262 = arith.constant 0.000000e+00 : f32
    %broadcast_in_dim3A_263 = vector.broadcast %jit3A_262 : f32 to vector<128x128xf32>
    %select_n3A_264 = arith.select %eq3A_261, %dot_general3A_241, %broadcast_in_dim3A_263 : vector<128x128xi1>, vector<128x128xf32>
    %reduce_sum3A_265 = arith.constant dense<0.000000e+00> : vector<128xf32>
    %reduce_sum3A_266 = vector.multi_reduction <add>, %select_n3A_264, %reduce_sum3A_265 [1] : vector<128x128xf32> to vector<128xf32>
    %broadcast_in_dim3A_267 = vector.shape_cast %reduce_sum3A_266 : vector<128xf32> to vector<128x1xf32>
    %eq3A_268 = vector.broadcast %reduce_min3A_259 : i32 to vector<128x128xi32>
    %eq3A_269 = arith.cmpi eq, %iota3A, %eq3A_268 : vector<128x128xi32>
    %jit3A_270 = arith.constant 0.000000e+00 : f32
    %broadcast_in_dim3A_271 = vector.broadcast %jit3A_270 : f32 to vector<128x128xf32>
    %select_n3A_272 = arith.select %eq3A_269, %dot_general3A_241, %broadcast_in_dim3A_271 : vector<128x128xi1>, vector<128x128xf32>
    %reduce_sum3A_273 = arith.constant dense<0.000000e+00> : vector<128xf32>
    %reduce_sum3A_274 = vector.multi_reduction <add>, %select_n3A_272, %reduce_sum3A_273 [0] : vector<128x128xf32> to vector<128xf32>
    %broadcast_in_dim3A_275 = vector.shape_cast %reduce_sum3A_274 : vector<128xf32> to vector<1x128xf32>
    %mul3A_276 = vector.broadcast %broadcast_in_dim3A_275 : vector<1x128xf32> to vector<128x128xf32>
    %mul3A_277 = arith.mulf %get3A_1, %mul3A_276 : vector<128x128xf32>
    %reduce_sum3A_278 = arith.constant dense<0.000000e+00> : vector<128xf32>
    %reduce_sum3A_279 = vector.multi_reduction <add>, %mul3A_277, %reduce_sum3A_278 [1] : vector<128x128xf32> to vector<128xf32>
    %broadcast_in_dim3A_280 = vector.shape_cast %reduce_sum3A_279 : vector<128xf32> to vector<128x1xf32>
    %mul3A_281 = arith.mulf %broadcast_in_dim3A_280, %broadcast_in_dim3A_267 : vector<128x1xf32>
    %reduce_sum3A_282 = vector.shape_cast %mul3A_281 : vector<128x1xf32> to vector<1x128x1xf32>
    %reduce_sum3A_283 = arith.constant dense<0.000000e+00> : vector<1xf32>
    %reduce_sum3A_284 = vector.multi_reduction <add>, %reduce_sum3A_282, %reduce_sum3A_283 [1, 2] : vector<1x128x1xf32> to vector<1xf32>
    %reduce_sum3A_285 = vector.shape_cast %reduce_sum3A_284 : vector<1xf32> to vector<1x1x1xf32>
    %reduce_sum3A_286 = vector.extract %reduce_sum3A_285[0, 0, 0] : f32 from vector<1x1x1xf32>
    %mul3A_287 = arith.mulf %broadcast_in_dim3A_267, %broadcast_in_dim3A_267 : vector<128x1xf32>
    %reduce_sum3A_288 = vector.shape_cast %mul3A_287 : vector<128x1xf32> to vector<1x128x1xf32>
    %reduce_sum3A_289 = arith.constant dense<0.000000e+00> : vector<1xf32>
    %reduce_sum3A_290 = vector.multi_reduction <add>, %reduce_sum3A_288, %reduce_sum3A_289 [1, 2] : vector<1x128x1xf32> to vector<1xf32>
    %reduce_sum3A_291 = vector.shape_cast %reduce_sum3A_290 : vector<1xf32> to vector<1x1x1xf32>
    %reduce_sum3A_292 = vector.extract %reduce_sum3A_291[0, 0, 0] : f32 from vector<1x1x1xf32>
    %div3A_293 = arith.divf %reduce_sum3A_286, %reduce_sum3A_292 : f32
    %div3A_294 = arith.divf %reduce_sum3A_6, %div3A_293 : f32
    %swap3A = arith.constant 0 : index
    %swap3A_295 = arith.constant 0 : index
    %swap3A_296 = memref.load %arg4[%swap3A, %swap3A_295] : memref<1x1xf32, #tpu.memory_space<smem>>
    memref.store %div3A_294, %arg4[%swap3A, %swap3A_295] : memref<1x1xf32, #tpu.memory_space<smem>>
    %get3A_297 = arith.constant 0 : index
    %get3A_298 = arith.constant 0 : index
    %get3A_299 = vector.load %arg1[%get3A_297, %get3A_298] : memref<32x256xf32, #tpu.memory_space<vmem>>, vector<32x256xf32>
    %reduce_sum3A_300 = arith.constant dense<0.000000e+00> : vector<256xf32>
    %reduce_sum3A_301 = vector.multi_reduction <add>, %get3A_299, %reduce_sum3A_300 [0] : vector<32x256xf32> to vector<256xf32>
    %broadcast_in_dim3A_302 = vector.shape_cast %reduce_sum3A_301 : vector<256xf32> to vector<1x256xf32>
    %get3A_303 = arith.constant 0 : index
    %get3A_304 = arith.constant 0 : index
    %get3A_305 = vector.load %arg2[%get3A_303, %get3A_304] : memref<32x256xf32, #tpu.memory_space<vmem>>, vector<32x256xf32>
    %reduce_sum3A_306 = arith.constant dense<0.000000e+00> : vector<256xf32>
    %reduce_sum3A_307 = vector.multi_reduction <add>, %get3A_305, %reduce_sum3A_306 [0] : vector<32x256xf32> to vector<256xf32>
    %broadcast_in_dim3A_308 = vector.shape_cast %reduce_sum3A_307 : vector<256xf32> to vector<1x256xf32>
    %max3A_309 = arith.constant 1.000000e+00 : f32
    %max3A_310 = vector.broadcast %max3A_309 : f32 to vector<1x256xf32>
    %max3A_311 = arith.maximumf %broadcast_in_dim3A_308, %max3A_310 : vector<1x256xf32>
    %div3A_312 = arith.divf %broadcast_in_dim3A_302, %max3A_311 : vector<1x256xf32>
    %iota3A_313 = tpu.iota {dimensions = array<i32: 1>} : vector<1x256xi32>
    %gt3A = arith.constant 0.000000e+00 : f32
    %gt3A_314 = vector.broadcast %gt3A : f32 to vector<1x256xf32>
    %gt3A_315 = arith.cmpf ogt, %broadcast_in_dim3A_308, %gt3A_314 : vector<1x256xf32>
    %jit3A_316 = arith.constant -1 : i32
    %broadcast_in_dim3A_317 = vector.broadcast %jit3A_316 : i32 to vector<1x256xi32>
    %select_n3A_318 = arith.select %gt3A_315, %iota3A_313, %broadcast_in_dim3A_317 : vector<1x256xi1>, vector<1x256xi32>
    %reduce_max3A_319 = vector.shape_cast %select_n3A_318 : vector<1x256xi32> to vector<1x1x256xi32>
    %reduce_max3A_320 = arith.constant dense<-2147483648> : vector<1xi32>
    %reduce_max3A_321 = vector.multi_reduction <maxsi>, %reduce_max3A_319, %reduce_max3A_320 [1, 2] : vector<1x1x256xi32> to vector<1xi32>
    %reduce_max3A_322 = vector.shape_cast %reduce_max3A_321 : vector<1xi32> to vector<1x1x1xi32>
    %reduce_max3A_323 = vector.extract %reduce_max3A_322[0, 0, 0] : i32 from vector<1x1x1xi32>
    %lt3A = vector.broadcast %reduce_max3A_323 : i32 to vector<1x256xi32>
    %lt3A_324 = arith.cmpi slt, %iota3A_313, %lt3A : vector<1x256xi32>
    %jit3A_325 = arith.constant 0.000000e+00 : f32
    %broadcast_in_dim3A_326 = vector.broadcast %jit3A_325 : f32 to vector<1x256xf32>
    %select_n3A_327 = arith.select %lt3A_324, %div3A_312, %broadcast_in_dim3A_326 : vector<1x256xi1>, vector<1x256xf32>
    %reduce_sum3A_328 = vector.shape_cast %select_n3A_327 : vector<1x256xf32> to vector<1x1x256xf32>
    %reduce_sum3A_329 = arith.constant dense<0.000000e+00> : vector<1xf32>
    %reduce_sum3A_330 = vector.multi_reduction <add>, %reduce_sum3A_328, %reduce_sum3A_329 [1, 2] : vector<1x1x256xf32> to vector<1xf32>
    %reduce_sum3A_331 = vector.shape_cast %reduce_sum3A_330 : vector<1xf32> to vector<1x1x1xf32>
    %reduce_sum3A_332 = vector.extract %reduce_sum3A_331[0, 0, 0] : f32 from vector<1x1x1xf32>
    %add3A = arith.constant 1 : i32
    %add3A_333 = arith.addi %reduce_max3A_323, %add3A : i32
    %convert_element_type3A = arith.sitofp %add3A_333 : i32 to f32
    %div3A_334 = arith.divf %reduce_sum3A_332, %convert_element_type3A : f32
    %swap3A_335 = arith.constant 0 : index
    %swap3A_336 = arith.constant 0 : index
    %swap3A_337 = memref.load %arg3[%swap3A_335, %swap3A_336] : memref<1x1xf32, #tpu.memory_space<smem>>
    memref.store %div3A_334, %arg3[%swap3A_335, %swap3A_336] : memref<1x1xf32, #tpu.memory_space<smem>>
    return
  }
}

</mosaic_0001>

<sc_bundles>
// kernel: kernel.5.cloned.1.call-start
scs
__scs_entry_jumppad:
0x0: {  	(pc) =	sbr.rel $0x88, $3  }
0x1: {  	(tag) =	ssettag $0x0;
	lr =	simm.s32 $0x1  }
0x2: {  	[smem:$0x3F9F] =	sst lr;
	_ =	strace $0xD0000000  }
0x3: {  	_ = 	snop  }
0x4: {  	_ = 	snop  }
0x5: {  	_ = 	snop  }
0x6: {  	_ = 	snop  }
0x7: {  	_ = 	snop  }
__scs_overlays_trampoline_lowered:
0x8: {  	[smem:$0x3FAE] =	sst s0  }
0x9: {  	[smem:$0x3FAF] =	sst s1  }
0xa: {  	[smem:$0x3FB0] =	sst s2  }
0xb: {  	[smem:$0x3FB1] =	sst s3  }
0xc: {  	[smem:$0x3FB2] =	sst s4  }
0xd: {  	[smem:$0x3FB3] =	sst s5  }
0xe: {  	[smem:$0x3FB4] =	sst s6  }
0xf: {  	[smem:$0x3FB5] =	sst s7  }
0x10: {  	[smem:$0x3FB6] =	sst s8  }
0x11: {  	[smem:$0x3FB7] =	sst s9;
	s0 =	simm.s32 @!p0 $0x0  }
0x12: {  	s1 =	sld [smem:$0x3F9D];
	s0 =	simm.s32 @p0 $0x1  }
0x13: {  	[smem:$0x3FB8] =	sst s0;
	s0 =	simm.s32 @!p1 $0x0  }
0x14: {  	s2 =	sld [smem:$0x3F9C];
	s0 =	simm.s32 @p1 $0x1  }
0x15: {  	[smem:$0x3FB9] =	sst s0;
	s0 =	simm.s32 @!p2 $0x0  }
0x16: {  	s3 =	sld [smem:$0x3FDB];
	s0 =	simm.s32 @p2 $0x1  }
0x17: {  	s4 =	simm.s32 $0x1BF5;
	[smem:$0x3FBB] =	sst s0  }
0x18: {  	s0 =	sld [smem:$0x3F9E];
	_ =	swait.ge [sflag:s4], $0x0  }
0x19: {  	s7 =	sld [smem:$0x3F9F]  }
0x1a: {  	s8 =	sadd.s32 $0xFFFFE003, lr  }
0x1b: {  	s9 =	sadd.s32 $0xFFFFFEF7, lr;
	s5 =	simm.s32 $0xFFFFFFFF;
	p2 =	slt.u32 s8, $0xFFFFF086  }
0x1c: {  	p1 =	slt.u32 s9, $0xF7A;
	s5 =	simm.s32 @!p2 $0x0  }
0x1d: {  	s5 =	simm.s32 @p1 $0x1;
	p0 =	seq.s32 s7, s2  }
0x1e: {  	s7 =	smul.u32 @!p0 $0xF7A, s2;
	p2 =	seq.s32 @!p0 s5, $0x0  }
0x1f: {  	s9 =	smul.u32 $0xF7A, s1;
	s8 =	simm.s32 @!p0 $0x1BF5;
	p2 =	por !p2, p0  }
0x20: {  	[sflag:s8] =	ssyncset.s32 @!p0 $0xFFFFF086;
	s6 =	sadd.s32 @!p0 s3, s7;
	s7 =	simm.s32 @!p0 $0x108  }
0x21: {  	s3 =	sadd.s32 s3, s9;
	s6 =	sadd.s32 @!p0 $0x88, s6;
	s7 =	simm.s32 @p2 $0x1082  }
0x22: {  	[simem:s7], [sflag:s8] =	dma.local @!p0 [hbm:s6], $0xF7A  }
0x23: {  	s9 =	sor.u32 $0xD0000000, s2;
	s6 =	simm.s32 $0x108;
	_ =	swait.ge @!p0 [sflag:s8], $0x0  }
0x24: {  	s3 =	sadd.s32 $0x88, s3;
	s6 =	simm.s32 @!p1 $0x1082;
	[sflag:s4] =	ssyncset.s32 $0xFFFFF086  }
0x25: {  	[simem:s6], [sflag:s4] =	dma.local [hbm:s3], $0xF7A  }
0x26: {  	[smem:$0x3F9F] =	sst s1;
	(tag) =	ssettag s2;
	_ =	strace s9  }
0x27: {  	s1 =	sld [smem:$0x3FAF]  }
0x28: {  	s2 =	sld [smem:$0x3FB0]  }
0x29: {  	s4 =	sld [smem:$0x3FB2]  }
0x2a: {  	p0 =	seq.s32 s5, $0x0;
	s5 =	sld [smem:$0x3FB3]  }
0x2b: {  	s6 =	sld [smem:$0x3FB4]  }
0x2c: {  	s7 =	sld [smem:$0x3FB5]  }
0x2d: {  	s3 =	simm.s32 $0x108;
	s8 =	sld [smem:$0x3FB6]  }
0x2e: {  	s3 =	simm.s32 @!p0 $0x1082;
	s9 =	sld [smem:$0x3FB7]  }
0x2f: {  	lr =	sadd.s32 s0, s3;
	s0 =	sld [smem:$0x3FAE]  }
0x30: {  	s3 =	sld [smem:$0x3FB1]  }
0x31: {  	[smem:$0x3FBA] =	sst s10  }
0x32: {  	s10 =	sld [smem:$0x3FB8];
	_ =	sdelay $0x3  }
0x33: {  	p0 =	seq.s32 s10, $0x1;
	s10 =	sld [smem:$0x3FBA];
	_ =	sdelay $0x3  }
0x34: {  	[smem:$0x3FBA] =	sst s10  }
0x35: {  	s10 =	sld [smem:$0x3FB9];
	_ =	sdelay $0x3  }
0x36: {  	p1 =	seq.s32 s10, $0x1;
	s10 =	sld [smem:$0x3FBA];
	_ =	sdelay $0x3  }
0x37: {  	[smem:$0x3FBA] =	sst s10  }
0x38: {  	s10 =	sld [smem:$0x3FBB]  }
0x39: {  	_ = 	snop;
	(pc) =	sbr.ind lr, $3  }
0x3a: {  	_ = 	snop  }
0x3b: {  	_ = 	snop  }
0x3c: {  	p2 =	seq.s32 s10, $0x1;
	s10 =	sld [smem:$0x3FBA]  }
0x3d: {  	_ =	shalt  }
0x3e: {  	_ =	shalt  }
0x3f: {  	_ =	shalt  }
0x40: {  	_ =	shalt  }
0x41: {  	_ =	shalt  }
0x42: {  	_ =	shalt  }
0x43: {  	_ =	shalt  }
0x44: {  	_ =	shalt  }
0x45: {  	_ =	shalt  }
0x46: {  	_ =	shalt  }
0x47: {  	_ =	shalt  }
0x48: {  	_ =	shalt  }
0x49: {  	_ =	shalt  }
0x4a: {  	_ =	shalt  }
0x4b: {  	_ =	shalt  }
0x4c: {  	_ =	shalt  }
0x4d: {  	_ =	shalt  }
0x4e: {  	_ =	shalt  }
0x4f: {  	_ =	shalt  }
0x50: {  	_ =	shalt  }
0x51: {  	_ =	shalt  }
0x52: {  	_ =	shalt  }
0x53: {  	_ =	shalt  }
0x54: {  	_ =	shalt  }
0x55: {  	_ =	shalt  }
0x56: {  	_ =	shalt  }
0x57: {  	_ =	shalt  }
0x58: {  	_ =	shalt  }
0x59: {  	_ =	shalt  }
0x5a: {  	_ =	shalt  }
0x5b: {  	_ =	shalt  }
0x5c: {  	_ =	shalt  }
0x5d: {  	_ =	shalt  }
0x5e: {  	_ =	shalt  }
0x5f: {  	_ =	shalt  }
0x60: {  	_ =	shalt  }
0x61: {  	_ =	shalt  }
0x62: {  	_ =	shalt  }
0x63: {  	_ =	shalt  }
0x64: {  	_ =	shalt  }
0x65: {  	_ =	shalt  }
0x66: {  	_ =	shalt  }
0x67: {  	_ =	shalt  }
0x68: {  	_ =	shalt  }
0x69: {  	_ =	shalt  }
0x6a: {  	_ =	shalt  }
0x6b: {  	_ =	shalt  }
0x6c: {  	_ =	shalt  }
0x6d: {  	_ =	shalt  }
0x6e: {  	_ =	shalt  }
0x6f: {  	_ =	shalt  }
0x70: {  	_ =	shalt  }
0x71: {  	_ =	shalt  }
0x72: {  	_ =	shalt  }
0x73: {  	_ =	shalt  }
0x74: {  	_ =	shalt  }
0x75: {  	_ =	shalt  }
0x76: {  	_ =	shalt  }
0x77: {  	_ =	shalt  }
0x78: {  	_ =	shalt  }
0x79: {  	_ =	shalt  }
0x7a: {  	_ =	shalt  }
0x7b: {  	_ =	shalt  }
0x7c: {  	_ =	shalt  }
0x7d: {  	_ =	shalt  }
0x7e: {  	_ =	shalt  }
0x7f: {  	_ =	shalt  }
0x80: {  	_ =	shalt  }
0x81: {  	_ =	shalt  }
0x82: {  	_ =	shalt  }
0x83: {  	_ =	shalt  }
0x84: {  	_ =	shalt  }
0x85: {  	_ =	shalt  }
0x86: {  	_ =	shalt  }
0x87: {  	_ =	shalt  }
.Lfunc_end0:
.L_simem_size_0:
called_computation_lowered:
.L_overlay_start_0:
0x88: {  	s2 =	sld [smem:$0x3FD9]  }
0x89: {  	s3 =	sld [smem:$0x3FFE];
	_ =	sdelay $0x1  }
0x8a: {  	s1 =	srdreg.scid  }
0x8b: {  	s0 =	sand.u32 $0x1, s1  }
0x8c: {  	s14 =	sshll.u32 s0, $0xA;
	s2 =	sadd.s32 s3, s2  }
0x8d: {  	s2 =	sadd.s32 s2, s14  }
0x8e: {  	[smem:$0x3FC6] =	sst s2  }
0x8f: {  	_ = 	snop  }
0x90: {  	s2 =	sld [smem:$0x3FD0];
	_ =	sdelay $0x2  }
0x91: {  	s4 =	simm.s32 $0xA;
	s5 =	simm.s32 $0x10;
	s15 =	sld [smem:$0x3FC8]  }
0x92: {  	[smem:s5], [sflag:s4] =	dma.local [hbm:s2], $0x1  }
0x93: {  	_ =	swait.eq [sflag:s4], $0x1  }
0x94: {  	[sflag:s4] =	ssyncset.done $0x0  }
0x95: {  	[sflag:s4] =	ssyncadd.s32 $0xFFFFFFFF  }
0x96: {  	s16 =	sld [smem:$0x10];
	(tm) =	ssettm $0x1  }
0x97: {  	s17 =	sld [smem:$0x3FFB];
	_ =	sdelay $0x3  }
0x98: {  	_ =	strace s17  }
0x99: {  	s4 =	sld [smem:$0x3FFC];
	_ =	sdelay $0x3  }
0x9a: {  	_ =	strace s4  }
0x9b: {  	s4 =	sld [smem:$0x3FFD];
	_ =	sdelay $0x3  }
0x9c: {  	_ =	strace s4  }
0x9d: {  	_ =	strace $0x8FFFFFFF  }
0x9e: {  	s18 =	sld [smem:$0x3FDB];
	_ =	sdelay $0x1  }
0x9f: {  	s19 =	simm.s32 $_scs_section_size  }
0xa0: {  	s6 =	simm.s32 $_size__tile_overlayer_lowered;
	s7 =	simm.s32 $_tile_overlayer_lowered  }
0xa1: {  	s22 =	simm.s32 $0x1BFF;
	s21 =	sshll.u32 s7, $0x1;
	s4 =	sadd.s32 s19, s18  }
0xa2: {  	s8 =	simm.s32 $0x0;
	s20 =	sshll.u32 s6, $0x1;
	s6 =	sadd.s32 s21, s4  }
0xa3: {  	[timem:s8], [sflag:s22] =	dma.local [hbm:s6], s20  }
0xa4: {  	_ =	swait.ge [sflag:s22], s20  }
0xa5: {  	s5 =	ssub.s32 $0x0, s20;
	[sflag:s22] =	ssyncset.done $0x0  }
0xa6: {  	[sflag:s22] =	ssyncadd.s32 s5;
	_ =	sdelay $0x1  }
0xa7: {  	s23 =	simm.s32 $0x1B8B  }
0xa8: {  	_ =	swait.ge [sflag:s23], $0x1  }
0xa9: {  	[sflag:s23] =	ssyncset.done $0x0  }
0xaa: {  	s25 =	simm.s32 $0x1B8E;
	s24 =	sld [smem:$0x3FFE];
	[sflag:s23] =	ssyncadd.s32 $0xFFFFFFFF  }
0xab: {  	s26 =	simm.s32 $execute0_lowered;
	[smem:$0x3FD2] =	sst s25  }
0xac: {  	s6 =	sshll.u32 s26, $0x1;
	_ =	strace $0x80000046;
	[dreg:$0x1] =	wrdreg $0xFFFFFFFF  }
0xad: {  	s28 =	simm.s32 $_size_execute0_lowered;
	s4 =	sadd.s32 s4, s6;
	[dreg:$0x0] =	wrdreg $0x0  }
0xae: {  	s6 =	sshll.u32 s28, $0x1;
	[dreg:$0x2] =	wrdreg s4  }
0xaf: {  	[dreg:$0x3] =	wrdreg s6  }
0xb0: {  	[dreg:$0x4] =	wrdreg $0xC0  }
0xb1: {  	_ =	task [dreg:s8], $0x5FFFF  }
0xb2: {  	[dreg:$0x1] =	wrdreg $0xFFFFFFFF  }
0xb3: {  	[dreg:$0x0] =	wrdreg $0x60  }
0xb4: {  	[dreg:$0x2] =	wrdreg s16  }
0xb5: {  	[dreg:$0x3] =	wrdreg s15  }
0xb6: {  	[dreg:$0x4] =	wrdreg s24  }
0xb7: {  	[dreg:$0x5] =	wrdreg $0x9  }
0xb8: {  	_ =	task.clear_ibuf [dreg:s8], $0x6FFFF;
	_ =	strace $0x90000046  }
0xb9: {  	s29 =	simm.s32 $0x9;
	_ =	strace $0x80000048  }
0xba: {  	_ =	swait.ge [sflag:s29], $0x1  }
0xbb: {  	[sflag:s29] =	ssyncadd.s32 $0xFFFFFFFF  }
0xbc: {  	_ =	strace $0x90000048  }
0xbd: {  	_ =	sfence  }
0xbe: {  	s30 =	sld [smem:$0x0];
	_ =	sdelay $0x2  }
0xbf: {  	s31 =	sshll.u32 s1, $0xD;
	s1 =	sshrl.u32 s1, $0x2  }
0xc0: {  	s3 =	sand.u32 $0x4000, s31;
	s1 =	sadd.s32 s1, s30  }
0xc1: {  	s0 =	sor.u32 s3, s0;
	s1 =	sshll.u32 s1, $0x11  }
0xc2: {  	s0 =	sor.u32 s1, s0  }
0xc3: {  	s0 =	sadd.s32 $0x8F2B, s0  }
0xc4: {  	[sflag:s0] =	ssyncadd.remote.s32 $0x1  }
0xc5: {  	_ =	sfence.sel $0xFFFF  }
0xc6: {  	[dreg:$0x0] =	wrdreg $0xFFFFFFFF;
	(pc) =	sbr.abs _section_cstart, $3  }
0xc7: {  	[dreg:$0x1] =	wrdreg $0xFFFFFFFF  }
0xc8: {  	_ =	task.clear_ibuf [dreg:s8], $0x2FFFF;
	_ =	strace $0x9FFFFFFF  }
0xc9: {  	(tm) =	ssettm $0x7FFFFFFF  }
tec
execute0_lowered:
.L_overlay_start_1:
0x0: {  	(tag) =	ssettag $0x1  }
0x1: {  	s3 =	rddreg [dreg:$0x0]  }
0x2: {  	s4 =	rddreg [dreg:$0x1]  }
0x3: {  	s1 =	srdreg.scid;
	s0 =	stileid.u32  }
0x4: {  	s5 =	rddreg [dreg:$0x2];
	s2 =	simm.s32 $0x0;
	s10 =	simm.s32 $0x4F00  }
0x5: {  	s11 =	simm.s32 $0x5000;
	s6 =	sand.u32 $0x1, s1;
	s7 =	sshll.u32 s0, $0x1  }
0x6: {  	s12 =	simm.s32 $0x0;
	s1 =	rddreg [dreg:$0x3];
	s7 =	sor.u32 s6, s7  }
0x7: {  	[smem:$0x7FF] =	sst s2;
	s6 =	ssub.s32 $0x2, s6;
	s8 =	smul.u32 $0x4E2, s7  }
0x8: {  	_ =	strace $0x80000047;
	s7 =	sshll.u32 s7, $0x5;
	s9 =	sshrl.u32 s6, $0x1  }
0x9: {  	s7 =	sadd.s32 s7, s5;
	s9 =	ssub.s32 s6, s9;
	s3 =	sadd.s32 s3, s8  }
0xa: {  	v2 =	vlaneseq.u32;
	s4 =	sadd.s32 s4, s8;
	s5 =	sadd.s32 $0xC00, s7;
	s6 =	sadd.s32 $0x1000, s7  }
0xb: {  	v0 =	vimm.s32 $0xFFFFFFFF;
	v1 =	vimm.f32 $0.0e+00;
	v2 =	vadd.s32 $0x1, v2;
	s7 =	smax.u32 s9, $0x1;
	s8 =	simm.s32 $0x1;
	s9 =	simm.s32 $0x2780  }
.LBB2_1:
0xc: {  	[tilespmem:s2], [sflag:$0x1] =	stream.linear.gather [hbm4b:s3+s2], $0x2710, $0x38;
	[tilespmem:$0x5280] =	vst v63  }
0xd: {  	_ =	swait.ge [sflag:s8], $0x2710  }
0xe: {  	[sflag:s8] =	ssyncset.done $0x0  }
0xf: {  	[sflag:s8] =	ssyncadd.s32 $0xFFFFD8F0  }
0x10: {  	[tilespmem:s9], [sflag:$0x1] =	stream.linear.gather [hbm4b:s4+s2], $0x2710, $0x38;
	[tilespmem:$0x5280] =	vst v63  }
0x11: {  	_ =	swait.ge [sflag:s8], $0x2710  }
0x12: {  	[sflag:s8] =	ssyncset.done $0x0  }
0x13: {  	[sflag:s8] =	ssyncadd.s32 $0xFFFFD8F0  }
0x14: {  	[tilespmem:$0x4E90] =	vst v0  }
0x15: {  	[tilespmem:$0x4F00] =	vst v1  }
0x16: {  	[tilespmem:$0x5000] =	vst v1  }
0x17: {  	[tilespmem:$0x4F10] =	vst v1  }
0x18: {  	[tilespmem:$0x5010] =	vst v1  }
0x19: {  	[tilespmem:$0x4F20] =	vst v1  }
0x1a: {  	[tilespmem:$0x5020] =	vst v1  }
0x1b: {  	[tilespmem:$0x4F30] =	vst v1  }
0x1c: {  	[tilespmem:$0x5030] =	vst v1  }
0x1d: {  	[tilespmem:$0x4F40] =	vst v1  }
0x1e: {  	[tilespmem:$0x5040] =	vst v1  }
0x1f: {  	[tilespmem:$0x4F50] =	vst v1  }
0x20: {  	[tilespmem:$0x5050] =	vst v1  }
0x21: {  	[tilespmem:$0x4F60] =	vst v1  }
0x22: {  	[tilespmem:$0x5060] =	vst v1  }
0x23: {  	[tilespmem:$0x4F70] =	vst v1  }
0x24: {  	[tilespmem:$0x5070] =	vst v1  }
0x25: {  	[tilespmem:$0x4F80] =	vst v1  }
0x26: {  	[tilespmem:$0x5080] =	vst v1  }
0x27: {  	[tilespmem:$0x4F90] =	vst v1  }
0x28: {  	[tilespmem:$0x5090] =	vst v1  }
0x29: {  	[tilespmem:$0x4FA0] =	vst v1  }
0x2a: {  	[tilespmem:$0x50A0] =	vst v1  }
0x2b: {  	[tilespmem:$0x4FB0] =	vst v1  }
0x2c: {  	[tilespmem:$0x50B0] =	vst v1  }
0x2d: {  	[tilespmem:$0x4FC0] =	vst v1  }
0x2e: {  	[tilespmem:$0x50C0] =	vst v1  }
0x2f: {  	[tilespmem:$0x4FD0] =	vst v1  }
0x30: {  	[tilespmem:$0x50D0] =	vst v1  }
0x31: {  	[tilespmem:$0x4FE0] =	vst v1  }
0x32: {  	[tilespmem:$0x50E0] =	vst v1  }
0x33: {  	[tilespmem:$0x4FF0] =	vst v1  }
0x34: {  	[tilespmem:$0x50F0] =	vst v1  }
0x35: {  	v3 =	vld [tilespmem:s2+$0x0];
	_ =	sdelay $0x4  }
0x36: {  	s13 =	simm.s32 $0x2781;
	(xrf2) =	vadd.scan.msk.f32 $0xffff, v3  }
0x37: {  	v4 =	vld [tilespmem:s13+$0x0]  }
0x38: {  	v3 =	vld [tilespmem:s13+$0xFFFFFFFF];
	_ =	sdelay $0x4  }
0x39: {  	vm0 =	vne.s32 v3, v4;
	_ =	sdelay $0x2  }
0x3a: {  	s14 =	simm.f32 $0.0e+00;
	v4, _, _ =	vpop (xrf2)  }
0x3b: {  	v6 =	vadd.s32 s2, v2;
	v5 =	vadd.f32 s14, v4;
	(v2sf) =	vpush v4, $0xF  }
0x3c: {  	v6 =	vcvt.s32.f32 v6  }
0x3d: {  	[tilespmem:v3+s10+$0x0] =	vst.idx.msk vm0, v5  }
0x3e: {  	s15 =	simm.s32 $0x10;
	[tilespmem:v3+s11+$0x0] =	vst.idx.msk vm0, v6  }
0x3f: {  	s16 =	simm.s32 $0x20;
	s17 =	simm.s32 $0x10;
	v3 =	vld [tilespmem:s15+$0x0]  }
.LBB2_2:
0x40: {  	p0 =	sne.s32 s16, $0x2700;
	_ =	sdelay $0x3  }
0x41: {  	s13 =	sadd.s32 $0x10, s13;
	(xrf2) =	vadd.scan.msk.f32 $0xffff, v3  }
0x42: {  	v3 =	vld [tilespmem:s13+$0xFFFFFFFF]  }
0x43: {  	v4 =	vld [tilespmem:s13+$0x0];
	_ =	sdelay $0x3  }
0x44: {  	s18 =	spop (v2sf)  }
0x45: {  	vm0 =	vne.s32 v3, v4;
	s14 =	sadd.f32 s18, s14;
	_ =	sdelay $0x2  }
0x46: {  	v4, _, _ =	vpop (xrf2)  }
.Ltmp0:
0x47: {  	v6 =	vadd.s32 s15, v2;
	s15 =	smov.u32 s16;
	v5 =	vadd.f32 s14, v4;
	(v2sf) =	vpush v4, $0xF;
	(pc) =	sbr.rel @p0 .LBB2_2-.Ltmp0, $4  }
0x48: {  	v4 =	vcvt.s32.f32 v6  }
0x49: {  	[tilespmem:v3+s10+$0x0] =	vst.idx.msk vm0, v5  }
0x4a: {  	s17 =	sadd.s32 $0x10, s17;
	[tilespmem:v3+s11+$0x0] =	vst.idx.msk vm0, v4  }
0x4b: {  	s16 =	sadd.s32 $0x10, s16;
	v3 =	vld [tilespmem:s17+$0x0]  }
0x4c: {  	_ =	sdelay $0x3  }
0x4d: {  	s13 =	sadd.s32 $0x10, s13;
	(xrf2) =	vadd.scan.msk.f32 $0xffff, v3  }
0x4e: {  	v4 =	vld [tilespmem:s13+$0xFFFFFFFF]  }
0x4f: {  	v3 =	vld [tilespmem:s13+$0x0];
	_ =	sdelay $0x4  }
0x50: {  	vm0 =	vne.s32 v4, v3  }
0x51: {  	s30 =	spop (v2sf)  }
0x52: {  	s13 =	sadd.f32 s30, s14  }
0x53: {  	v3, _, _ =	vpop (xrf2)  }
0x54: {  	v6 =	vadd.s32 s15, v2;
	v5 =	vadd.f32 s13, v3  }
0x55: {  	v6 =	vcvt.s32.f32 v6  }
0x56: {  	[tilespmem:v4+s10+$0x0] =	vst.idx.msk vm0, v5  }
0x57: {  	[tilespmem:v4+s11+$0x0] =	vst.idx.msk vm0, v6  }
0x58: {  	v4 =	vld [tilespmem:$0x4F00];
	_ =	sdelay $0x4  }
0x59: {  	(xrf0) =	vmax.scan.msk.f32 $0xffff, v4;
	_ =	sdelay $0x4  }
0x5a: {  	v5 =	vld [tilespmem:$0x4F10]  }
0x5b: {  	v4, _, _ =	vpop (xrf0)  }
0x5c: {  	v4 =	vmax.f32 v4, $0.0e+00  }
0x5d: {  	(xrf0) =	vmax.scan.msk.f32 $0xffff, v4;
	_ =	sdelay $0x1  }
0x5e: {  	(xrf0) =	vmax.scan.msk.f32 $0xffff, v5;
	_ =	sdelay $0x3  }
0x5f: {  	v45, _, _ =	vpop (xrf0)  }
0x60: {  	v7 =	vld [tilespmem:$0x4F20];
	v5 =	vbroadcast v45, $0xF  }
0x61: {  	v46, _, _ =	vpop (xrf0)  }
0x62: {  	v6 =	vmax.f32 v46, v5  }
0x63: {  	(xrf0) =	vmax.scan.msk.f32 $0xffff, v6;
	_ =	sdelay $0x1  }
0x64: {  	(xrf0) =	vmax.scan.msk.f32 $0xffff, v7;
	_ =	sdelay $0x3  }
0x65: {  	v47, _, _ =	vpop (xrf0)  }
0x66: {  	v8 =	vld [tilespmem:$0x4F30];
	v5 =	vbroadcast v47, $0xF  }
0x67: {  	v7, _, _ =	vpop (xrf0)  }
0x68: {  	v7 =	vmax.f32 v7, v5  }
0x69: {  	(xrf0) =	vmax.scan.msk.f32 $0xffff, v7;
	_ =	sdelay $0x1  }
0x6a: {  	(xrf0) =	vmax.scan.msk.f32 $0xffff, v8;
	_ =	sdelay $0x3  }
0x6b: {  	v48, _, _ =	vpop (xrf0)  }
0x6c: {  	v9 =	vld [tilespmem:$0x4F40];
	v5 =	vbroadcast v48, $0xF  }
0x6d: {  	v8, _, _ =	vpop (xrf0)  }
0x6e: {  	v8 =	vmax.f32 v8, v5  }
0x6f: {  	(xrf0) =	vmax.scan.msk.f32 $0xffff, v8;
	_ =	sdelay $0x1  }
0x70: {  	(xrf0) =	vmax.scan.msk.f32 $0xffff, v9;
	_ =	sdelay $0x3  }
0x71: {  	v49, _, _ =	vpop (xrf0)  }
0x72: {  	v10 =	vld [tilespmem:$0x4F50];
	v5 =	vbroadcast v49, $0xF  }
0x73: {  	v9, _, _ =	vpop (xrf0)  }
0x74: {  	v9 =	vmax.f32 v9, v5  }
0x75: {  	(xrf0) =	vmax.scan.msk.f32 $0xffff, v9;
	_ =	sdelay $0x1  }
0x76: {  	(xrf0) =	vmax.scan.msk.f32 $0xffff, v10;
	_ =	sdelay $0x3  }
0x77: {  	v50, _, _ =	vpop (xrf0)  }
0x78: {  	v11 =	vld [tilespmem:$0x4F60];
	v5 =	vbroadcast v50, $0xF  }
0x79: {  	v10, _, _ =	vpop (xrf0)  }
0x7a: {  	v10 =	vmax.f32 v10, v5  }
0x7b: {  	(xrf0) =	vmax.scan.msk.f32 $0xffff, v10;
	_ =	sdelay $0x1  }
0x7c: {  	(xrf0) =	vmax.scan.msk.f32 $0xffff, v11;
	_ =	sdelay $0x3  }
0x7d: {  	v51, _, _ =	vpop (xrf0)  }
0x7e: {  	v52 =	vld [tilespmem:$0x4F70];
	v5 =	vbroadcast v51, $0xF  }
0x7f: {  	v12, _, _ =	vpop (xrf0)  }
0x80: {  	v13 =	vmax.f32 v12, v5  }
0x81: {  	(xrf0) =	vmax.scan.msk.f32 $0xffff, v13;
	_ =	sdelay $0x1  }
0x82: {  	(xrf0) =	vmax.scan.msk.f32 $0xffff, v52;
	_ =	sdelay $0x3  }
0x83: {  	v53, _, _ =	vpop (xrf0)  }
0x84: {  	v54 =	vld [tilespmem:$0x4F80];
	v5 =	vbroadcast v53, $0xF  }
0x85: {  	v55, _, _ =	vpop (xrf0)  }
0x86: {  	v15 =	vmax.f32 v55, v5  }
0x87: {  	(xrf0) =	vmax.scan.msk.f32 $0xffff, v15;
	_ =	sdelay $0x1  }
0x88: {  	(xrf0) =	vmax.scan.msk.f32 $0xffff, v54;
	_ =	sdelay $0x3  }
0x89: {  	v56, _, _ =	vpop (xrf0)  }
0x8a: {  	v57 =	vld [tilespmem:$0x4F90];
	v5 =	vbroadcast v56, $0xF  }
0x8b: {  	v58, _, _ =	vpop (xrf0)  }
0x8c: {  	v20 =	vmax.f32 v58, v5  }
0x8d: {  	(xrf0) =	vmax.scan.msk.f32 $0xffff, v20;
	_ =	sdelay $0x1  }
0x8e: {  	(xrf0) =	vmax.scan.msk.f32 $0xffff, v57;
	_ =	sdelay $0x3  }
0x8f: {  	v59, _, _ =	vpop (xrf0)  }
0x90: {  	v60 =	vld [tilespmem:$0x4FA0];
	v5 =	vbroadcast v59, $0xF  }
0x91: {  	v61, _, _ =	vpop (xrf0)  }
0x92: {  	v22 =	vmax.f32 v61, v5  }
0x93: {  	(xrf0) =	vmax.scan.msk.f32 $0xffff, v22;
	_ =	sdelay $0x1  }
0x94: {  	(xrf0) =	vmax.scan.msk.f32 $0xffff, v60;
	_ =	sdelay $0x3  }
0x95: {  	v62, _, _ =	vpop (xrf0)  }
0x96: {  	v63 =	vld [tilespmem:$0x4FB0];
	v5 =	vbroadcast v62, $0xF  }
0x97: {  	v16, _, _ =	vpop (xrf0)  }
0x98: {  	v24 =	vmax.f32 v16, v5  }
0x99: {  	(xrf0) =	vmax.scan.msk.f32 $0xffff, v24;
	_ =	sdelay $0x1  }
0x9a: {  	(xrf0) =	vmax.scan.msk.f32 $0xffff, v63;
	_ =	sdelay $0x3  }
0x9b: {  	v17, _, _ =	vpop (xrf0)  }
0x9c: {  	v18 =	vld [tilespmem:$0x4FC0];
	v5 =	vbroadcast v17, $0xF  }
0x9d: {  	v19, _, _ =	vpop (xrf0)  }
0x9e: {  	v25 =	vmax.f32 v19, v5  }
0x9f: {  	(xrf0) =	vmax.scan.msk.f32 $0xffff, v25;
	_ =	sdelay $0x1  }
0xa0: {  	(xrf0) =	vmax.scan.msk.f32 $0xffff, v18;
	_ =	sdelay $0x3  }
0xa1: {  	v21, _, _ =	vpop (xrf0)  }
0xa2: {  	v23 =	vld [tilespmem:$0x4FD0];
	v5 =	vbroadcast v21, $0xF  }
0xa3: {  	v28, _, _ =	vpop (xrf0)  }
0xa4: {  	v26 =	vmax.f32 v28, v5  }
0xa5: {  	(xrf0) =	vmax.scan.msk.f32 $0xffff, v26;
	_ =	sdelay $0x1  }
0xa6: {  	(xrf0) =	vmax.scan.msk.f32 $0xffff, v23;
	_ =	sdelay $0x3  }
0xa7: {  	v29, _, _ =	vpop (xrf0)  }
0xa8: {  	v30 =	vld [tilespmem:$0x4FE0];
	v5 =	vbroadcast v29, $0xF  }
0xa9: {  	v31, _, _ =	vpop (xrf0)  }
0xaa: {  	v27 =	vmax.f32 v31, v5  }
0xab: {  	(xrf0) =	vmax.scan.msk.f32 $0xffff, v27;
	_ =	sdelay $0x1  }
0xac: {  	(xrf0) =	vmax.scan.msk.f32 $0xffff, v30;
	_ =	sdelay $0x3  }
0xad: {  	v33 =	vld [tilespmem:$0x4FF0];
	v32, _, _ =	vpop (xrf0)  }
0xae: {  	v34 =	vld [tilespmem:$0x5000];
	v5 =	vbroadcast v32, $0xF  }
0xaf: {  	v14, _, _ =	vpop (xrf0)  }
0xb0: {  	v28 =	vmax.f32 v14, v5  }
0xb1: {  	(xrf0) =	vmax.scan.msk.f32 $0xffff, v28  }
0xb2: {  	(xrf0) =	vmax.scan.msk.f32 $0xffff, v33  }
0xb3: {  	(xrf0) =	vmax.scan.msk.f32 $0xffff, v34;
	_ =	sdelay $0x3  }
0xb4: {  	v29, _, _ =	vpop (xrf0)  }
0xb5: {  	v35 =	vld [tilespmem:$0x5010];
	v30, _, _ =	vpop (xrf0)  }
0xb6: {  	v36, _, _ =	vpop (xrf0)  }
0xb7: {  	v5 =	vmax.f32 v36, $0.0e+00  }
0xb8: {  	(xrf0) =	vmax.scan.msk.f32 $0xffff, v5;
	_ =	sdelay $0x1  }
0xb9: {  	(xrf0) =	vmax.scan.msk.f32 $0xffff, v35;
	_ =	sdelay $0x3  }
0xba: {  	v37, _, _ =	vpop (xrf0)  }
0xbb: {  	v38 =	vld [tilespmem:$0x5020];
	v11 =	vbroadcast v37, $0xF  }
0xbc: {  	v39, _, _ =	vpop (xrf0)  }
0xbd: {  	v11 =	vmax.f32 v39, v11  }
0xbe: {  	(xrf0) =	vmax.scan.msk.f32 $0xffff, v11;
	_ =	sdelay $0x1  }
0xbf: {  	(xrf0) =	vmax.scan.msk.f32 $0xffff, v38;
	_ =	sdelay $0x3  }
0xc0: {  	v40, _, _ =	vpop (xrf0)  }
0xc1: {  	v41 =	vld [tilespmem:$0x5030];
	v12 =	vbroadcast v40, $0xF  }
0xc2: {  	v16, _, _ =	vpop (xrf0)  }
0xc3: {  	v12 =	vmax.f32 v16, v12  }
0xc4: {  	(xrf0) =	vmax.scan.msk.f32 $0xffff, v12;
	_ =	sdelay $0x1  }
0xc5: {  	(xrf0) =	vmax.scan.msk.f32 $0xffff, v41;
	_ =	sdelay $0x3  }
0xc6: {  	v42, _, _ =	vpop (xrf0)  }
0xc7: {  	v43 =	vld [tilespmem:$0x5040];
	v14 =	vbroadcast v42, $0xF  }
0xc8: {  	v17, _, _ =	vpop (xrf0)  }
0xc9: {  	v14 =	vmax.f32 v17, v14  }
0xca: {  	(xrf0) =	vmax.scan.msk.f32 $0xffff, v14;
	_ =	sdelay $0x1  }
0xcb: {  	(xrf0) =	vmax.scan.msk.f32 $0xffff, v43;
	_ =	sdelay $0x3  }
0xcc: {  	v44, _, _ =	vpop (xrf0)  }
0xcd: {  	v45 =	vld [tilespmem:$0x5050];
	v16 =	vbroadcast v44, $0xF  }
0xce: {  	v18, _, _ =	vpop (xrf0)  }
0xcf: {  	v16 =	vmax.f32 v18, v16  }
0xd0: {  	(xrf0) =	vmax.scan.msk.f32 $0xffff, v16;
	_ =	sdelay $0x1  }
0xd1: {  	(xrf0) =	vmax.scan.msk.f32 $0xffff, v45;
	_ =	sdelay $0x3  }
0xd2: {  	v46, _, _ =	vpop (xrf0)  }
0xd3: {  	v47 =	vld [tilespmem:$0x5060];
	v17 =	vbroadcast v46, $0xF  }
0xd4: {  	v19, _, _ =	vpop (xrf0)  }
0xd5: {  	v17 =	vmax.f32 v19, v17  }
0xd6: {  	(xrf0) =	vmax.scan.msk.f32 $0xffff, v17;
	_ =	sdelay $0x1  }
0xd7: {  	(xrf0) =	vmax.scan.msk.f32 $0xffff, v47;
	_ =	sdelay $0x3  }
0xd8: {  	v48, _, _ =	vpop (xrf0)  }
0xd9: {  	v49 =	vld [tilespmem:$0x5070];
	v18 =	vbroadcast v48, $0xF  }
0xda: {  	v21, _, _ =	vpop (xrf0)  }
0xdb: {  	v18 =	vmax.f32 v21, v18  }
0xdc: {  	(xrf0) =	vmax.scan.msk.f32 $0xffff, v18;
	_ =	sdelay $0x1  }
0xdd: {  	(xrf0) =	vmax.scan.msk.f32 $0xffff, v49;
	_ =	sdelay $0x3  }
0xde: {  	v50, _, _ =	vpop (xrf0)  }
0xdf: {  	v51 =	vld [tilespmem:$0x5080];
	v19 =	vbroadcast v50, $0xF  }
0xe0: {  	v23, _, _ =	vpop (xrf0)  }
0xe1: {  	v19 =	vmax.f32 v23, v19  }
0xe2: {  	(xrf0) =	vmax.scan.msk.f32 $0xffff, v19;
	_ =	sdelay $0x1  }
0xe3: {  	(xrf0) =	vmax.scan.msk.f32 $0xffff, v51;
	_ =	sdelay $0x3  }
0xe4: {  	v52, _, _ =	vpop (xrf0)  }
0xe5: {  	v53 =	vld [tilespmem:$0x5090];
	v21 =	vbroadcast v52, $0xF  }
0xe6: {  	v31, _, _ =	vpop (xrf0)  }
0xe7: {  	v21 =	vmax.f32 v31, v21  }
0xe8: {  	(xrf0) =	vmax.scan.msk.f32 $0xffff, v21;
	_ =	sdelay $0x1  }
0xe9: {  	[tilespmem:$0x5100] =	vst v1;
	(xrf0) =	vmax.scan.msk.f32 $0xffff, v53  }
0xea: {  	[tilespmem:$0x5110] =	vst v4  }
0xeb: {  	v56 =	vld [tilespmem:$0x510F];
	_ =	sdelay $0x1  }
0xec: {  	[tilespmem:$0x5120] =	vst v6;
	v55 =	vld [tilespmem:$0x50A0];
	v54, _, _ =	vpop (xrf0)  }
0xed: {  	v58 =	vld [tilespmem:$0x511F];
	v23 =	vbroadcast v54, $0xF  }
0xee: {  	[tilespmem:$0x5130] =	vst v7;
	v57 =	vld [tilespmem:$0x5120];
	v32, _, _ =	vpop (xrf0)  }
0xef: {  	[tilespmem:$0x5140] =	vst v8;
	v4 =	vsub.f32 v4, v56;
	v56 =	vld [tilespmem:$0x50D0];
	v23 =	vmax.f32 v32, v23  }
0xf0: {  	v61 =	vld [tilespmem:$0x513F];
	(xrf0) =	vmax.scan.msk.f32 $0xffff, v23  }
0xf1: {  	[tilespmem:$0x5150] =	vst v9;
	v60 =	vld [tilespmem:$0x512F]  }
0xf2: {  	v62 =	vld [tilespmem:$0x5150];
	[tilespmem:$0x51B0] =	vst v24;
	(xrf0) =	vmax.scan.msk.f32 $0xffff, v55  }
0xf3: {  	v63 =	vld [tilespmem:$0x514F];
	[tilespmem:$0x51C0] =	vst v25  }
0xf4: {  	v7 =	vsub.f32 v57, v58;
	v58 =	vld [tilespmem:$0x51BF]  }
0xf5: {  	v33 =	vld [tilespmem:$0x5130]  }
0xf6: {  	v36 =	vld [tilespmem:$0x5140];
	v59, _, _ =	vpop (xrf0)  }
0xf7: {  	[tilespmem:$0x51D0] =	vst v26;
	v34 =	vld [tilespmem:$0x50B0];
	v6 =	vbroadcast v59, $0xF  }
0xf8: {  	[tilespmem:$0x51A0] =	vst v22;
	v62 =	vsub.f32 v62, v63;
	v63 =	vld [tilespmem:$0x51CF];
	v35, _, _ =	vpop (xrf0)  }
0xf9: {  	[tilespmem:$0x51E0] =	vst v27;
	v27 =	vld [tilespmem:$0x51AF];
	v6 =	vmax.f32 v35, v6  }
0xfa: {  	[tilespmem:$0x51F0] =	vst v28;
	v28 =	vld [tilespmem:$0x51C0];
	(xrf0) =	vmax.scan.msk.f32 $0xffff, v6  }
0xfb: {  	v57 =	vsub.f32 v33, v60;
	v60 =	vsub.f32 v36, v61;
	v61 =	vld [tilespmem:$0x51D0]  }
0xfc: {  	[tilespmem:$0x5170] =	vst v13;
	v36 =	vld [tilespmem:$0x51E0];
	(xrf0) =	vmax.scan.msk.f32 $0xffff, v34  }
0xfd: {  	[tilespmem:$0x5160] =	vst v10;
	v37 =	vld [tilespmem:$0x5170]  }
0xfe: {  	[tilespmem:$0x5180] =	vst v15;
	v38 =	vld [tilespmem:$0x516F]  }
0xff: {  	v40 =	vld [tilespmem:$0x5180];
	[tilespmem:$0x5130] =	vst v12  }
0x100: {  	[tilespmem:$0x4F20] =	vst v57;
	v57 =	vld [tilespmem:$0x5130];
	v39, _, _ =	vpop (xrf0)  }
0x101: {  	[tilespmem:$0x5120] =	vst v11;
	v47 =	vld [tilespmem:$0x50C0];
	v46 =	vbroadcast v39, $0xF  }
0x102: {  	v8 =	vsub.f32 v28, v58;
	v58 =	vld [tilespmem:$0x512F];
	v41, _, _ =	vpop (xrf0)  }
0x103: {  	[tilespmem:$0x5140] =	vst v14;
	v43 =	vld [tilespmem:$0x51F0];
	v15 =	vmax.f32 v41, v46  }
0x104: {  	[tilespmem:$0x4F30] =	vst v60;
	v60 =	vld [tilespmem:$0x5140];
	(xrf0) =	vmax.scan.msk.f32 $0xffff, v15  }
0x105: {  	v44 =	vld [tilespmem:$0x5160]  }
0x106: {  	v45 =	vld [tilespmem:$0x515F];
	[tilespmem:$0x5150] =	vst v16;
	(xrf0) =	vmax.scan.msk.f32 $0xffff, v47  }
0x107: {  	v28 =	vld [tilespmem:$0x5150]  }
0x108: {  	[tilespmem:$0x5190] =	vst v20;
	v48 =	vld [tilespmem:$0x517F]  }
0x109: {  	v49 =	vld [tilespmem:$0x5190]  }
0x10a: {  	[tilespmem:$0x5100] =	vst v1;
	v50 =	vld [tilespmem:$0x518F];
	v54, _, _ =	vpop (xrf0)  }
0x10b: {  	[tilespmem:$0x4F00] =	vst v4;
	v51 =	vld [tilespmem:$0x51A0];
	v55 =	vbroadcast v54, $0xF  }
0x10c: {  	[tilespmem:$0x5180] =	vst v19;
	v52 =	vld [tilespmem:$0x519F];
	v59, _, _ =	vpop (xrf0)  }
0x10d: {  	v38 =	vsub.f32 v37, v38;
	[tilespmem:$0x5170] =	vst v18;
	v37 =	vld [tilespmem:$0x5180];
	v9 =	vmax.f32 v59, v55  }
0x10e: {  	[tilespmem:$0x4F10] =	vst v7;
	v19 =	vld [tilespmem:$0x517F];
	(xrf0) =	vmax.scan.msk.f32 $0xffff, v9  }
0x10f: {  	[tilespmem:$0x5190] =	vst v21;
	v53 =	vbroadcast v29, $0xF;
	v29 =	vld [tilespmem:$0x51B0]  }
0x110: {  	[tilespmem:$0x4F60] =	vst v38;
	v38 =	vld [tilespmem:$0x5190];
	(xrf0) =	vmax.scan.msk.f32 $0xffff, v56  }
0x111: {  	[tilespmem:$0x5110] =	vst v5;
	v24 =	vsub.f32 v51, v52;
	v51 =	vld [tilespmem:$0x50F0]  }
0x112: {  	[tilespmem:$0x5160] =	vst v17;
	v26 =	vmax.f32 v30, v53;
	v53 =	vld [tilespmem:$0x510F]  }
0x113: {  	(v2sf) =	vpush v3, $0xF;
	[tilespmem:$0x4F40] =	vst v62;
	v3 =	vsub.f32 v57, v58;
	v32 =	vld [tilespmem:$0x5160]  }
0x114: {  	[tilespmem:$0x4FB0] =	vst v8;
	v42 =	vsub.f32 v40, v48;
	v35 =	vsub.f32 v44, v45;
	v45 =	vld [tilespmem:$0x51EF];
	v48, _, _ =	vpop (xrf0)  }
0x115: {  	[tilespmem:$0x5020] =	vst v3;
	v44 =	vsub.f32 v49, v50;
	v49 =	vld [tilespmem:$0x50E0];
	v30 =	vbroadcast v48, $0xF  }
0x116: {  	[tilespmem:$0x4F70] =	vst v42;
	v34 =	vld [tilespmem:$0x515F];
	v50, _, _ =	vpop (xrf0)  }
0x117: {  	[tilespmem:$0x5200] =	vst v26;
	v39 =	vld [tilespmem:$0x51DF];
	v52 =	vmax.f32 v50, v30  }
0x118: {  	[tilespmem:$0x4F50] =	vst v35;
	v35 =	vld [tilespmem:$0x5170];
	(xrf0) =	vmax.scan.msk.f32 $0xffff, v52  }
0x119: {  	[tilespmem:$0x4F90] =	vst v24;
	v5 =	vsub.f32 v5, v53;
	v46 =	vld [tilespmem:$0x5200]  }
0x11a: {  	[tilespmem:$0x51A0] =	vst v23;
	v47 =	vld [tilespmem:$0x51FF];
	(xrf0) =	vmax.scan.msk.f32 $0xffff, v49  }
0x11b: {  	[tilespmem:$0x5000] =	vst v5;
	v41 =	vld [tilespmem:$0x51A0]  }
0x11c: {  	[tilespmem:$0x51B0] =	vst v6;
	v53 =	vsub.f32 v32, v34;
	v62 =	vsub.f32 v36, v39;
	v36 =	vld [tilespmem:$0x516F]  }
0x11d: {  	[tilespmem:$0x4F80] =	vst v44;
	v39 =	vld [tilespmem:$0x518F]  }
0x11e: {  	[tilespmem:$0x5050] =	vst v53;
	v54 =	vsub.f32 v29, v27;
	v29 =	vld [tilespmem:$0x514F];
	v59 =	vsub.f32 v61, v63;
	v63, _, _ =	vpop (xrf0)  }
0x11f: {  	[tilespmem:$0x51C0] =	vst v15;
	v4 =	vsub.f32 v46, v47;
	v46 =	vld [tilespmem:$0x51AF];
	v13 =	vbroadcast v63, $0xF  }
0x120: {  	[tilespmem:$0x4FD0] =	vst v62;
	v55 =	vld [tilespmem:$0x5120];
	v31, _, _ =	vpop (xrf0)  }
0x121: {  	[tilespmem:$0x4FF0] =	vst v4;
	v61 =	vld [tilespmem:$0x513F];
	v13 =	vmax.f32 v31, v13  }
0x122: {  	v4 =	vsub.f32 v37, v19;
	[tilespmem:$0x4FA0] =	vst v54;
	v56 =	vld [tilespmem:$0x511F];
	(xrf0) =	vmax.scan.msk.f32 $0xffff, v13  }
0x123: {  	[tilespmem:$0x51D0] =	vst v9;
	v3 =	vsub.f32 v28, v29;
	v48 =	vld [tilespmem:$0x51C0]  }
0x124: {  	[tilespmem:$0x5070] =	vst v4;
	v30 =	vsub.f32 v43, v45;
	v43 =	vld [tilespmem:$0x519F];
	(xrf0) =	vmax.scan.msk.f32 $0xffff, v51  }
0x125: {  	[tilespmem:$0x5040] =	vst v3;
	v45 =	vld [tilespmem:$0x51B0]  }
0x126: {  	v3 =	vsub.f32 v35, v36;
	[tilespmem:$0x51E0] =	vst v52;
	v52 =	vld [tilespmem:$0x51CF]  }
0x127: {  	[tilespmem:$0x4FC0] =	vst v59;
	v47 =	vsub.f32 v55, v56;
	v49 =	vld [tilespmem:$0x51BF]  }
0x128: {  	[tilespmem:$0x5060] =	vst v3;
	v54 =	vld [tilespmem:$0x51E0];
	v40, _, _ =	vpop (xrf0)  }
0x129: {  	v3 =	vsub.f32 v38, v39;
	[tilespmem:$0x5010] =	vst v47;
	v55 =	vld [tilespmem:$0x51DF];
	v42 =	vbroadcast v40, $0xF  }
0x12a: {  	[tilespmem:$0x51F0] =	vst v13;
	v51 =	vld [tilespmem:$0x51D0];
	v44, _, _ =	vpop (xrf0)  }
0x12b: {  	[tilespmem:$0x5080] =	vst v3;
	v56 =	vld [tilespmem:$0x51F0];
	v9 =	vmax.f32 v44, v42  }
0x12c: {  	v50 =	vsub.f32 v60, v61;
	v57 =	vld [tilespmem:$0x51EF];
	[tilespmem:$0x5200] =	vst v9  }
0x12d: {  	[tilespmem:$0x4FE0] =	vst v30;
	v58 =	vsub.f32 v41, v43;
	v59 =	vld [tilespmem:$0x5200]  }
0x12e: {  	[tilespmem:$0x5030] =	vst v50;
	v3 =	vsub.f32 v45, v46;
	v60 =	vld [tilespmem:$0x51FF]  }
0x12f: {  	[tilespmem:$0x5090] =	vst v58;
	v61 =	vsub.f32 v48, v49  }
0x130: {  	[tilespmem:$0x50A0] =	vst v3;
	v3 =	vsub.f32 v51, v52  }
0x131: {  	v62 =	vsub.f32 v54, v55;
	[tilespmem:$0x50B0] =	vst v61  }
0x132: {  	[tilespmem:$0x50C0] =	vst v3;
	v3 =	vsub.f32 v56, v57  }
0x133: {  	[tilespmem:$0x50D0] =	vst v62;
	v63 =	vsub.f32 v59, v60  }
0x134: {  	[tilespmem:$0x50E0] =	vst v3  }
0x135: {  	s31 =	spop (v2sf);
	[tilespmem:$0x50F0] =	vst v63  }
0x136: {  	[hbm4b:s5+s2] =	stream.linear.scatter [tilespmem:s10], [sflag:$0x1], $0x100, $0x38;
	[tilespmem:$0x5280] =	vst v63  }
0x137: {  	s12 =	sadd.s32 $0x1, s12;
	_ =	swait.ge [sflag:s8], $0x100  }
0x138: {  	p0 =	sne.s32 s12, s7;
	[sflag:s8] =	ssyncset.done $0x0  }
.Ltmp1:
0x139: {  	[sflag:s8] =	ssyncadd.s32 $0xFFFFFF00;
	(pc) =	sbr.rel @p0 .LBB2_1-.Ltmp1, $4  }
0x13a: {  	[hbm4b:s6+s2] =	stream.linear.scatter [tilespmem:s11], [sflag:$0x1], $0x100, $0x38;
	[tilespmem:$0x5280] =	vst v63  }
0x13b: {  	_ =	swait.ge [sflag:s8], $0x100  }
0x13c: {  	[sflag:s8] =	ssyncset.done $0x0  }
0x13d: {  	[sflag:s8] =	ssyncadd.s32 $0xFFFFFF00  }
0x13e: {  	_ =	sfence.sel $0x180000  }
0x13f: {  	[bflag:$0x0] =	sbarrier.arrive $0xFFFF  }
0x140: {  	p0 =	sne.s32 s0, $0x0;
	_ =	strace $0x90000047  }
0x141: {  	s0 =	sadd.s32 @!p0 $0x100000, s1;
	[bflag:$0x2] =	sbarrier.arrive $0xFFFF  }
0x142: {  	[sflag:s0] =	ssyncadd.tile.s32 @!p0 $0x1;
	_ =	shalt  }
.Lfunc_end2:
_tile_overlayer_lowered:
.L_overlay_start_2:
0x143: {  	(tag) =	ssettag $0x2  }
0x144: {  	s0 =	rddreg [dreg:$0x0];
	s2 =	stileid.u32  }
0x145: {  	s1 =	rddreg [dreg:$0x1];
	p0 =	sne.s32 s2, $0x0  }
0x146: {  	s3 =	rddreg [dreg:$0x2];
	[bflag:$0x3] =	sbarrier.arrive $0xFFFF;
	s2 =	simm.s32 @!p0 $0x1C01  }
0x147: {  	[timem:s3], [sflag:s2] =	dma.local @!p0 [hbm:s0], s1  }
0x148: {  	s0 =	simm.s32 @!p0 $0x1  }
0x149: {  	_ =	swait.ge @!p0 [sflag:s0], s1  }
0x14a: {  	s1 =	ssub.s32 @!p0 $0x0, s1;
	[sflag:s0] =	ssyncset.done @!p0 $0x0  }
0x14b: {  	[sflag:s0] =	ssyncadd.s32 @!p0 s1  }
0x14c: {  	[bflag:$0x3] =	sbarrier.arrive $0xFFFF  }
0x14d: {  	_ =	shalt  }

</sc_bundles>
